<compile_context>
chip_gen: v7x
topology: tpu7x:2x2x1
jax: 0.10.2.dev20260603
libtpu: 0.0.44.dev20260713+nightly
codegen_flags: <defaults>
</compile_context>

<pallas_src>
import functools

import jax
import jax.numpy as jnp
from jax import lax
from jax.experimental import pallas as pl
from jax.experimental.pallas import tpu as pltpu
from jax.experimental.pallas import tpu_sc as plsc


def kernel(indices, time_encodings):
    B, = indices.shape
    V, D = time_encodings.shape
    DP = 128
    L = 16

    info = plsc.get_sparse_core_info()
    NC, NS = info.num_cores, info.num_subcores
    NW = NC * NS
    b_per_w = B // NW
    NCH = 4
    CW = b_per_w // NCH

    mesh = plsc.VectorSubcoreMesh(core_axis_name="c", subcore_axis_name="s")

    @functools.partial(
        pl.kernel,
        mesh=mesh,
        out_type=jax.ShapeDtypeStruct((D, B), jnp.float32),
        scratch_types=[
            pltpu.VMEM((b_per_w,), jnp.int32),
            pltpu.VMEM((b_per_w, DP), jnp.float32),
            pltpu.VMEM((NCH * D, CW), jnp.float32),
            pltpu.SemaphoreType.DMA,
            pltpu.SemaphoreType.DMA,
        ],
        compiler_params=pltpu.CompilerParams(needs_layout_passes=False),
    )
    def gather_kernel(table_hbm, idx_hbm, out_hbm, idx_v, rows_v, t_v,
                      gsem, wsem):
        wid = lax.axis_index("s") * NC + lax.axis_index("c")
        base = wid * b_per_w
        pltpu.sync_copy(idx_hbm.at[pl.ds(base, b_per_w)], idx_v)
        gathers = [
            pltpu.async_copy(
                table_hbm.at[idx_v.at[pl.ds(c * CW, CW)]],
                rows_v.at[pl.ds(c * CW, CW)], gsem)
            for c in range(NCH)
        ]
        iota = lax.iota(jnp.int32, L)
        writes = []
        for c in range(NCH):
            gathers[c].wait()

            @plsc.parallel_loop(0, (D // L) * (CW // L) * 4, unroll=2)
            def transpose_block(i, c=c):
                g = i // ((CW // L) * 4)
                r = i % ((CW // L) * 4)
                b0 = (r // 4) * L
                s0 = (r % 4) * 4
                d_vec = iota + g * L
                b_vecs = [((iota + s0 + s) & (L - 1)) + b0 for s in range(4)]
                vals = [plsc.load_gather(rows_v, [bv + c * CW, d_vec])
                        for bv in b_vecs]
                for s in range(4):
                    plsc.store_scatter(
                        t_v, [d_vec + c * D, b_vecs[s]], vals[s])
            writes.append(pltpu.async_copy(
                t_v.at[pl.ds(c * D, D)],
                out_hbm.at[:, pl.ds(base + c * CW, CW)], wsem))
        for w in writes:
            w.wait()

    table_pad = jnp.pad(time_encodings, ((0, 0), (0, DP - D)))
    out_t = gather_kernel(table_pad, indices.astype(jnp.int32))
    return out_t.T

# --- scband reference (transcript-rebuilt; emitter-appended) ---
"""Pipeline reference for scband-time-encoding-58480274703116 (READ-ONLY COPY).

The authoritative reference and input builder live on the scoring server;
editing this copy changes nothing except your own understanding.
"""

import jax, jax.numpy as jnp
import numpy as np

T = 4000
EMBED = 64
BATCH = 16384


def _build_table():
    p, i = np.meshgrid(np.arange(T + 1), 2 * np.arange(EMBED // 2))
    t_emb = np.empty((T + 1, EMBED), dtype=np.float32)
    t_emb[:, ::2] = np.sin(p / 10000 ** (i / EMBED)).T.astype(np.float32)
    t_emb[:, 1::2] = np.cos(p / 10000 ** (i / EMBED)).T.astype(np.float32)
    return jnp.asarray(t_emb)


def setup_inputs(seed: int = 0) -> dict:
    key = jax.random.key(seed)
    indices = jax.random.randint(key, (BATCH,), 0, T + 1)
    time_encodings = _build_table()
    return {"indices": indices, "time_encodings": time_encodings}


def reference(indices, time_encodings):
    # Faithful translation of tf.gather(self.time_encodings, inputs)
    return jnp.take(time_encodings, indices, axis=0)

if __name__ == "__main__":
    import jax
    _d = setup_inputs()
    print(jax.jit(kernel)(*tuple(_d.values())))

</pallas_src>

<mosaic_0001>
#map = affine_map<(d0, d1) -> (0, 0)>
#map1 = affine_map<(d0, d1) -> (0)>
module attributes {stable_mosaic.version = 14 : i64} {
  func.func @gather_kernel(%arg0: i32, %arg1: i32, %arg2: memref<4001x128xf32, #tpu.memory_space<hbm>>, %arg3: memref<16384xi32, #tpu.memory_space<hbm>>, %arg4: memref<64x16384xf32, #tpu.memory_space<hbm>>, %arg5: memref<512xi32, #tpu.memory_space<vmem>>, %arg6: memref<512x128xf32, #tpu.memory_space<vmem>>, %arg7: memref<256x128xf32, #tpu.memory_space<vmem>>, %arg8: memref<!tpu.dma_semaphore, #tpu.memory_space<semaphore_mem>>, %arg9: memref<!tpu.dma_semaphore, #tpu.memory_space<semaphore_mem>>) attributes {dimension_semantics = [#tpu.dimension_semantics<core_parallel>, #tpu.dimension_semantics<subcore_parallel>], iteration_bounds = array<i64: 2, 16>, scalar_prefetch = 0 : i64, scratch_operands = 5 : i64, tpu.core_type = #tpu.core_type<sc_vector_subcore>, window_params = [{transform_indices = #map}, {transform_indices = #map1}, {transform_indices = #map}]} {
    %mul3A = arith.constant 2 : i32
    %mul3A_0 = arith.muli %arg1, %mul3A : i32
    %add3A = arith.addi %mul3A_0, %arg0 : i32
    %mul3A_1 = arith.constant 512 : i32
    %mul3A_2 = arith.muli %add3A, %mul3A_1 : i32
    "tpu.region"() ({
      %run_scoped3A = tpu.sem_alloc : memref<!tpu.dma_semaphore, #tpu.memory_space<semaphore_mem>>
      %dma_start3A_164 = tpu.memref_slice %arg3[%mul3A_2] : memref<16384xi32, #tpu.memory_space<hbm>> -> memref<512xi32, #tpu.memory_space<hbm>>
      %dma_start3A_165 = tpu.memref_slice %arg3[%mul3A_2] : memref<16384xi32, #tpu.memory_space<hbm>> -> memref<512xi32, #tpu.memory_space<hbm>>
      tpu.enqueue_dma source(%dma_start3A_165 : memref<512xi32, #tpu.memory_space<hbm>>) target(%arg5 : memref<512xi32, #tpu.memory_space<vmem>>) target_semaphore(%run_scoped3A : memref<!tpu.dma_semaphore, #tpu.memory_space<semaphore_mem>>)
      %dma_wait3A_166 = tpu.memref_slice %arg3[%mul3A_2] : memref<16384xi32, #tpu.memory_space<hbm>> -> memref<512xi32, #tpu.memory_space<hbm>>
      %dma_wait3A_167 = tpu.memref_slice %arg3[%mul3A_2] : memref<16384xi32, #tpu.memory_space<hbm>> -> memref<512xi32, #tpu.memory_space<hbm>>
      tpu.wait_dma2 semaphore(%run_scoped3A : memref<!tpu.dma_semaphore, #tpu.memory_space<semaphore_mem>>) src(%dma_wait3A_167 : memref<512xi32, #tpu.memory_space<hbm>>) dst(%arg5 : memref<512xi32, #tpu.memory_space<vmem>>)
      tpu.yield
    }) : () -> ()
    %dma_start3A = arith.constant 0 : i32
    %dma_start3A_3 = arith.constant 0 : i32
    %dma_start3A_4 = tpu.memref_slice %arg6[%dma_start3A, %dma_start3A_3] : memref<512x128xf32, #tpu.memory_space<vmem>> -> memref<128x128xf32, #tpu.memory_space<vmem>>
    %dma_start3A_5 = arith.constant 0 : i32
    %dma_start3A_6 = tpu.memref_slice %arg5[%dma_start3A_5] : memref<512xi32, #tpu.memory_space<vmem>> -> memref<128xi32, #tpu.memory_space<vmem>>
    %dma_start3A_7 = arith.constant 0 : i32
    %dma_start3A_8 = arith.constant 0 : i32
    %dma_start3A_9 = tpu.memref_slice %arg2[%dma_start3A_7, %dma_start3A_8] : memref<4001x128xf32, #tpu.memory_space<hbm>> -> memref<4001x128xf32, #tpu.memory_space<hbm>>
    tpu.enqueue_indirect_dma source(%dma_start3A_9 : memref<4001x128xf32, #tpu.memory_space<hbm>>) target(%dma_start3A_4 : memref<128x128xf32, #tpu.memory_space<vmem>>) offsets(%dma_start3A_6 : memref<128xi32, #tpu.memory_space<vmem>>) semaphore(%arg8 : memref<!tpu.dma_semaphore, #tpu.memory_space<semaphore_mem>>)
    %dma_start3A_10 = arith.constant 128 : i32
    %dma_start3A_11 = arith.constant 0 : i32
    %dma_start3A_12 = tpu.memref_slice %arg6[%dma_start3A_10, %dma_start3A_11] : memref<512x128xf32, #tpu.memory_space<vmem>> -> memref<128x128xf32, #tpu.memory_space<vmem>>
    %dma_start3A_13 = arith.constant 128 : i32
    %dma_start3A_14 = tpu.memref_slice %arg5[%dma_start3A_13] : memref<512xi32, #tpu.memory_space<vmem>> -> memref<128xi32, #tpu.memory_space<vmem>>
    %dma_start3A_15 = arith.constant 0 : i32
    %dma_start3A_16 = arith.constant 0 : i32
    %dma_start3A_17 = tpu.memref_slice %arg2[%dma_start3A_15, %dma_start3A_16] : memref<4001x128xf32, #tpu.memory_space<hbm>> -> memref<4001x128xf32, #tpu.memory_space<hbm>>
    tpu.enqueue_indirect_dma source(%dma_start3A_17 : memref<4001x128xf32, #tpu.memory_space<hbm>>) target(%dma_start3A_12 : memref<128x128xf32, #tpu.memory_space<vmem>>) offsets(%dma_start3A_14 : memref<128xi32, #tpu.memory_space<vmem>>) semaphore(%arg8 : memref<!tpu.dma_semaphore, #tpu.memory_space<semaphore_mem>>)
    %dma_start3A_18 = arith.constant 256 : i32
    %dma_start3A_19 = arith.constant 0 : i32
    %dma_start3A_20 = tpu.memref_slice %arg6[%dma_start3A_18, %dma_start3A_19] : memref<512x128xf32, #tpu.memory_space<vmem>> -> memref<128x128xf32, #tpu.memory_space<vmem>>
    %dma_start3A_21 = arith.constant 256 : i32
    %dma_start3A_22 = tpu.memref_slice %arg5[%dma_start3A_21] : memref<512xi32, #tpu.memory_space<vmem>> -> memref<128xi32, #tpu.memory_space<vmem>>
    %dma_start3A_23 = arith.constant 0 : i32
    %dma_start3A_24 = arith.constant 0 : i32
    %dma_start3A_25 = tpu.memref_slice %arg2[%dma_start3A_23, %dma_start3A_24] : memref<4001x128xf32, #tpu.memory_space<hbm>> -> memref<4001x128xf32, #tpu.memory_space<hbm>>
    tpu.enqueue_indirect_dma source(%dma_start3A_25 : memref<4001x128xf32, #tpu.memory_space<hbm>>) target(%dma_start3A_20 : memref<128x128xf32, #tpu.memory_space<vmem>>) offsets(%dma_start3A_22 : memref<128xi32, #tpu.memory_space<vmem>>) semaphore(%arg8 : memref<!tpu.dma_semaphore, #tpu.memory_space<semaphore_mem>>)
    %dma_start3A_26 = arith.constant 384 : i32
    %dma_start3A_27 = arith.constant 0 : i32
    %dma_start3A_28 = tpu.memref_slice %arg6[%dma_start3A_26, %dma_start3A_27] : memref<512x128xf32, #tpu.memory_space<vmem>> -> memref<128x128xf32, #tpu.memory_space<vmem>>
    %dma_start3A_29 = arith.constant 384 : i32
    %dma_start3A_30 = tpu.memref_slice %arg5[%dma_start3A_29] : memref<512xi32, #tpu.memory_space<vmem>> -> memref<128xi32, #tpu.memory_space<vmem>>
    %dma_start3A_31 = arith.constant 0 : i32
    %dma_start3A_32 = arith.constant 0 : i32
    %dma_start3A_33 = tpu.memref_slice %arg2[%dma_start3A_31, %dma_start3A_32] : memref<4001x128xf32, #tpu.memory_space<hbm>> -> memref<4001x128xf32, #tpu.memory_space<hbm>>
    tpu.enqueue_indirect_dma source(%dma_start3A_33 : memref<4001x128xf32, #tpu.memory_space<hbm>>) target(%dma_start3A_28 : memref<128x128xf32, #tpu.memory_space<vmem>>) offsets(%dma_start3A_30 : memref<128xi32, #tpu.memory_space<vmem>>) semaphore(%arg8 : memref<!tpu.dma_semaphore, #tpu.memory_space<semaphore_mem>>)
    %iota3A = tpu.iota {dimensions = array<i32: 0>} : vector<16xi32>
    %dma_wait3A = arith.constant 0 : i32
    %dma_wait3A_34 = arith.constant 0 : i32
    %dma_wait3A_35 = tpu.memref_slice %arg6[%dma_wait3A, %dma_wait3A_34] : memref<512x128xf32, #tpu.memory_space<vmem>> -> memref<128x128xf32, #tpu.memory_space<vmem>>
    %dma_wait3A_36 = arith.constant 0 : i32
    %dma_wait3A_37 = tpu.memref_slice %arg5[%dma_wait3A_36] : memref<512xi32, #tpu.memory_space<vmem>> -> memref<128xi32, #tpu.memory_space<vmem>>
    %dma_wait3A_38 = arith.constant 0 : i32
    %dma_wait3A_39 = arith.constant 0 : i32
    %dma_wait3A_40 = tpu.memref_slice %arg2[%dma_wait3A_38, %dma_wait3A_39] : memref<4001x128xf32, #tpu.memory_space<hbm>> -> memref<4001x128xf32, #tpu.memory_space<hbm>>
    tpu.wait_indirect_dma semaphore(%arg8 : memref<!tpu.dma_semaphore, #tpu.memory_space<semaphore_mem>>) src(%dma_wait3A_40 : memref<4001x128xf32, #tpu.memory_space<hbm>>) dst(%dma_wait3A_35 : memref<128x128xf32, #tpu.memory_space<vmem>>)
    %parallel_loop3A = arith.constant 0 : i32
    %parallel_loop3A_41 = arith.constant 128 : i32
    %parallel_loop3A_42 = arith.constant 1 : i32
    scf.for %parallel_loop3A_164 = %parallel_loop3A to %parallel_loop3A_41 step %parallel_loop3A_42  : i32 {
      %parallel_loop3A_165 = arith.constant 32 : i32
      %parallel_loop3A_166 = arith.divsi %parallel_loop3A_164, %parallel_loop3A_165 : i32
      %parallel_loop3A_167 = arith.constant 0 : i32
      %parallel_loop3A_168 = arith.cmpi sgt, %parallel_loop3A_164, %parallel_loop3A_167 : i32
      %parallel_loop3A_169 = arith.extui %parallel_loop3A_168 : i1 to i32
      %parallel_loop3A_170 = arith.constant 0 : i32
      %parallel_loop3A_171 = arith.cmpi slt, %parallel_loop3A_164, %parallel_loop3A_170 : i32
      %parallel_loop3A_172 = arith.extui %parallel_loop3A_171 : i1 to i32
      %parallel_loop3A_173 = arith.subi %parallel_loop3A_169, %parallel_loop3A_172 : i32
      %parallel_loop3A_174 = arith.constant 0 : i32
      %parallel_loop3A_175 = arith.cmpi sgt, %parallel_loop3A_165, %parallel_loop3A_174 : i32
      %parallel_loop3A_176 = arith.extui %parallel_loop3A_175 : i1 to i32
      %parallel_loop3A_177 = arith.constant 0 : i32
      %parallel_loop3A_178 = arith.cmpi slt, %parallel_loop3A_165, %parallel_loop3A_177 : i32
      %parallel_loop3A_179 = arith.extui %parallel_loop3A_178 : i1 to i32
      %parallel_loop3A_180 = arith.subi %parallel_loop3A_176, %parallel_loop3A_179 : i32
      %parallel_loop3A_181 = arith.cmpi ne, %parallel_loop3A_173, %parallel_loop3A_180 : i32
      %parallel_loop3A_182 = arith.remsi %parallel_loop3A_164, %parallel_loop3A_165 : i32
      %parallel_loop3A_183 = arith.constant 0 : i32
      %parallel_loop3A_184 = arith.cmpi ne, %parallel_loop3A_182, %parallel_loop3A_183 : i32
      %parallel_loop3A_185 = arith.andi %parallel_loop3A_181, %parallel_loop3A_184 : i1
      %parallel_loop3A_186 = arith.constant 1 : i32
      %parallel_loop3A_187 = arith.subi %parallel_loop3A_166, %parallel_loop3A_186 : i32
      %parallel_loop3A_188 = arith.select %parallel_loop3A_185, %parallel_loop3A_187, %parallel_loop3A_166 : i32
      %parallel_loop3A_189 = arith.constant 32 : i32
      %parallel_loop3A_190 = arith.constant 0 : i32
      %parallel_loop3A_191 = arith.cmpi eq, %parallel_loop3A_189, %parallel_loop3A_190 : i32
      %parallel_loop3A_192 = arith.constant 1 : i32
      %parallel_loop3A_193 = arith.select %parallel_loop3A_191, %parallel_loop3A_192, %parallel_loop3A_189 : i32
      %parallel_loop3A_194 = arith.remsi %parallel_loop3A_164, %parallel_loop3A_193 : i32
      %parallel_loop3A_195 = arith.constant 0 : i32
      %parallel_loop3A_196 = arith.cmpi ne, %parallel_loop3A_194, %parallel_loop3A_195 : i32
      %parallel_loop3A_197 = arith.constant 0 : i32
      %parallel_loop3A_198 = arith.cmpi slt, %parallel_loop3A_194, %parallel_loop3A_197 : i32
      %parallel_loop3A_199 = arith.constant 0 : i32
      %parallel_loop3A_200 = arith.cmpi slt, %parallel_loop3A_193, %parallel_loop3A_199 : i32
      %parallel_loop3A_201 = arith.xori %parallel_loop3A_198, %parallel_loop3A_200 : i1
      %parallel_loop3A_202 = arith.andi %parallel_loop3A_201, %parallel_loop3A_196 : i1
      %parallel_loop3A_203 = arith.addi %parallel_loop3A_194, %parallel_loop3A_193 : i32
      %parallel_loop3A_204 = arith.select %parallel_loop3A_202, %parallel_loop3A_203, %parallel_loop3A_194 : i32
      %parallel_loop3A_205 = arith.constant 4 : i32
      %parallel_loop3A_206 = arith.divsi %parallel_loop3A_204, %parallel_loop3A_205 : i32
      %parallel_loop3A_207 = arith.constant 0 : i32
      %parallel_loop3A_208 = arith.cmpi sgt, %parallel_loop3A_204, %parallel_loop3A_207 : i32
      %parallel_loop3A_209 = arith.extui %parallel_loop3A_208 : i1 to i32
      %parallel_loop3A_210 = arith.constant 0 : i32
      %parallel_loop3A_211 = arith.cmpi slt, %parallel_loop3A_204, %parallel_loop3A_210 : i32
      %parallel_loop3A_212 = arith.extui %parallel_loop3A_211 : i1 to i32
      %parallel_loop3A_213 = arith.subi %parallel_loop3A_209, %parallel_loop3A_212 : i32
      %parallel_loop3A_214 = arith.constant 0 : i32
      %parallel_loop3A_215 = arith.cmpi sgt, %parallel_loop3A_205, %parallel_loop3A_214 : i32
      %parallel_loop3A_216 = arith.extui %parallel_loop3A_215 : i1 to i32
      %parallel_loop3A_217 = arith.constant 0 : i32
      %parallel_loop3A_218 = arith.cmpi slt, %parallel_loop3A_205, %parallel_loop3A_217 : i32
      %parallel_loop3A_219 = arith.extui %parallel_loop3A_218 : i1 to i32
      %parallel_loop3A_220 = arith.subi %parallel_loop3A_216, %parallel_loop3A_219 : i32
      %parallel_loop3A_221 = arith.cmpi ne, %parallel_loop3A_213, %parallel_loop3A_220 : i32
      %parallel_loop3A_222 = arith.remsi %parallel_loop3A_204, %parallel_loop3A_205 : i32
      %parallel_loop3A_223 = arith.constant 0 : i32
      %parallel_loop3A_224 = arith.cmpi ne, %parallel_loop3A_222, %parallel_loop3A_223 : i32
      %parallel_loop3A_225 = arith.andi %parallel_loop3A_221, %parallel_loop3A_224 : i1
      %parallel_loop3A_226 = arith.constant 1 : i32
      %parallel_loop3A_227 = arith.subi %parallel_loop3A_206, %parallel_loop3A_226 : i32
      %parallel_loop3A_228 = arith.select %parallel_loop3A_225, %parallel_loop3A_227, %parallel_loop3A_206 : i32
      %parallel_loop3A_229 = arith.constant 16 : i32
      %parallel_loop3A_230 = arith.muli %parallel_loop3A_228, %parallel_loop3A_229 : i32
      %parallel_loop3A_231 = arith.constant 4 : i32
      %parallel_loop3A_232 = arith.constant 0 : i32
      %parallel_loop3A_233 = arith.cmpi eq, %parallel_loop3A_231, %parallel_loop3A_232 : i32
      %parallel_loop3A_234 = arith.constant 1 : i32
      %parallel_loop3A_235 = arith.select %parallel_loop3A_233, %parallel_loop3A_234, %parallel_loop3A_231 : i32
      %parallel_loop3A_236 = arith.remsi %parallel_loop3A_204, %parallel_loop3A_235 : i32
      %parallel_loop3A_237 = arith.constant 0 : i32
      %parallel_loop3A_238 = arith.cmpi ne, %parallel_loop3A_236, %parallel_loop3A_237 : i32
      %parallel_loop3A_239 = arith.constant 0 : i32
      %parallel_loop3A_240 = arith.cmpi slt, %parallel_loop3A_236, %parallel_loop3A_239 : i32
      %parallel_loop3A_241 = arith.constant 0 : i32
      %parallel_loop3A_242 = arith.cmpi slt, %parallel_loop3A_235, %parallel_loop3A_241 : i32
      %parallel_loop3A_243 = arith.xori %parallel_loop3A_240, %parallel_loop3A_242 : i1
      %parallel_loop3A_244 = arith.andi %parallel_loop3A_243, %parallel_loop3A_238 : i1
      %parallel_loop3A_245 = arith.addi %parallel_loop3A_236, %parallel_loop3A_235 : i32
      %parallel_loop3A_246 = arith.select %parallel_loop3A_244, %parallel_loop3A_245, %parallel_loop3A_236 : i32
      %parallel_loop3A_247 = arith.constant 4 : i32
      %parallel_loop3A_248 = arith.muli %parallel_loop3A_246, %parallel_loop3A_247 : i32
      %parallel_loop3A_249 = arith.constant 16 : i32
      %parallel_loop3A_250 = arith.muli %parallel_loop3A_188, %parallel_loop3A_249 : i32
      %parallel_loop3A_251 = vector.broadcast %parallel_loop3A_250 : i32 to vector<16xi32>
      %parallel_loop3A_252 = arith.addi %iota3A, %parallel_loop3A_251 : vector<16xi32>
      %parallel_loop3A_253 = vector.broadcast %parallel_loop3A_248 : i32 to vector<16xi32>
      %parallel_loop3A_254 = arith.addi %iota3A, %parallel_loop3A_253 : vector<16xi32>
      %parallel_loop3A_255 = arith.constant 0 : i32
      %parallel_loop3A_256 = vector.broadcast %parallel_loop3A_255 : i32 to vector<16xi32>
      %parallel_loop3A_257 = arith.addi %parallel_loop3A_254, %parallel_loop3A_256 : vector<16xi32>
      %parallel_loop3A_258 = arith.constant 15 : i32
      %parallel_loop3A_259 = vector.broadcast %parallel_loop3A_258 : i32 to vector<16xi32>
      %parallel_loop3A_260 = arith.andi %parallel_loop3A_257, %parallel_loop3A_259 : vector<16xi32>
      %parallel_loop3A_261 = vector.broadcast %parallel_loop3A_230 : i32 to vector<16xi32>
      %parallel_loop3A_262 = arith.addi %parallel_loop3A_260, %parallel_loop3A_261 : vector<16xi32>
      %parallel_loop3A_263 = vector.broadcast %parallel_loop3A_248 : i32 to vector<16xi32>
      %parallel_loop3A_264 = arith.addi %iota3A, %parallel_loop3A_263 : vector<16xi32>
      %parallel_loop3A_265 = arith.constant 1 : i32
      %parallel_loop3A_266 = vector.broadcast %parallel_loop3A_265 : i32 to vector<16xi32>
      %parallel_loop3A_267 = arith.addi %parallel_loop3A_264, %parallel_loop3A_266 : vector<16xi32>
      %parallel_loop3A_268 = arith.constant 15 : i32
      %parallel_loop3A_269 = vector.broadcast %parallel_loop3A_268 : i32 to vector<16xi32>
      %parallel_loop3A_270 = arith.andi %parallel_loop3A_267, %parallel_loop3A_269 : vector<16xi32>
      %parallel_loop3A_271 = vector.broadcast %parallel_loop3A_230 : i32 to vector<16xi32>
      %parallel_loop3A_272 = arith.addi %parallel_loop3A_270, %parallel_loop3A_271 : vector<16xi32>
      %parallel_loop3A_273 = vector.broadcast %parallel_loop3A_248 : i32 to vector<16xi32>
      %parallel_loop3A_274 = arith.addi %iota3A, %parallel_loop3A_273 : vector<16xi32>
      %parallel_loop3A_275 = arith.constant 2 : i32
      %parallel_loop3A_276 = vector.broadcast %parallel_loop3A_275 : i32 to vector<16xi32>
      %parallel_loop3A_277 = arith.addi %parallel_loop3A_274, %parallel_loop3A_276 : vector<16xi32>
      %parallel_loop3A_278 = arith.constant 15 : i32
      %parallel_loop3A_279 = vector.broadcast %parallel_loop3A_278 : i32 to vector<16xi32>
      %parallel_loop3A_280 = arith.andi %parallel_loop3A_277, %parallel_loop3A_279 : vector<16xi32>
      %parallel_loop3A_281 = vector.broadcast %parallel_loop3A_230 : i32 to vector<16xi32>
      %parallel_loop3A_282 = arith.addi %parallel_loop3A_280, %parallel_loop3A_281 : vector<16xi32>
      %parallel_loop3A_283 = vector.broadcast %parallel_loop3A_248 : i32 to vector<16xi32>
      %parallel_loop3A_284 = arith.addi %iota3A, %parallel_loop3A_283 : vector<16xi32>
      %parallel_loop3A_285 = arith.constant 3 : i32
      %parallel_loop3A_286 = vector.broadcast %parallel_loop3A_285 : i32 to vector<16xi32>
      %parallel_loop3A_287 = arith.addi %parallel_loop3A_284, %parallel_loop3A_286 : vector<16xi32>
      %parallel_loop3A_288 = arith.constant 15 : i32
      %parallel_loop3A_289 = vector.broadcast %parallel_loop3A_288 : i32 to vector<16xi32>
      %parallel_loop3A_290 = arith.andi %parallel_loop3A_287, %parallel_loop3A_289 : vector<16xi32>
      %parallel_loop3A_291 = vector.broadcast %parallel_loop3A_230 : i32 to vector<16xi32>
      %parallel_loop3A_292 = arith.addi %parallel_loop3A_290, %parallel_loop3A_291 : vector<16xi32>
      %parallel_loop3A_293 = arith.constant 0 : i32
      %parallel_loop3A_294 = vector.broadcast %parallel_loop3A_293 : i32 to vector<16xi32>
      %parallel_loop3A_295 = arith.addi %parallel_loop3A_262, %parallel_loop3A_294 : vector<16xi32>
      %parallel_loop3A_296 = tpu.vector_load_idx %arg6[%parallel_loop3A_295, %parallel_loop3A_252] : memref<512x128xf32, #tpu.memory_space<vmem>>[vector<16xi32>, vector<16xi32>], vector<16xf32>,
      %parallel_loop3A_297 = arith.constant 0 : i32
      %parallel_loop3A_298 = vector.broadcast %parallel_loop3A_297 : i32 to vector<16xi32>
      %parallel_loop3A_299 = arith.addi %parallel_loop3A_272, %parallel_loop3A_298 : vector<16xi32>
      %parallel_loop3A_300 = tpu.vector_load_idx %arg6[%parallel_loop3A_299, %parallel_loop3A_252] : memref<512x128xf32, #tpu.memory_space<vmem>>[vector<16xi32>, vector<16xi32>], vector<16xf32>,
      %parallel_loop3A_301 = arith.constant 0 : i32
      %parallel_loop3A_302 = vector.broadcast %parallel_loop3A_301 : i32 to vector<16xi32>
      %parallel_loop3A_303 = arith.addi %parallel_loop3A_282, %parallel_loop3A_302 : vector<16xi32>
      %parallel_loop3A_304 = tpu.vector_load_idx %arg6[%parallel_loop3A_303, %parallel_loop3A_252] : memref<512x128xf32, #tpu.memory_space<vmem>>[vector<16xi32>, vector<16xi32>], vector<16xf32>,
      %parallel_loop3A_305 = arith.constant 0 : i32
      %parallel_loop3A_306 = vector.broadcast %parallel_loop3A_305 : i32 to vector<16xi32>
      %parallel_loop3A_307 = arith.addi %parallel_loop3A_292, %parallel_loop3A_306 : vector<16xi32>
      %parallel_loop3A_308 = tpu.vector_load_idx %arg6[%parallel_loop3A_307, %parallel_loop3A_252] : memref<512x128xf32, #tpu.memory_space<vmem>>[vector<16xi32>, vector<16xi32>], vector<16xf32>,
      %parallel_loop3A_309 = arith.constant 0 : i32
      %parallel_loop3A_310 = vector.broadcast %parallel_loop3A_309 : i32 to vector<16xi32>
      %parallel_loop3A_311 = arith.addi %parallel_loop3A_252, %parallel_loop3A_310 : vector<16xi32>
      tpu.vector_store_idx %arg7[%parallel_loop3A_311, %parallel_loop3A_262], %parallel_loop3A_296 : memref<256x128xf32, #tpu.memory_space<vmem>>[vector<16xi32>, vector<16xi32>], vector<16xf32>,
      %parallel_loop3A_312 = arith.constant 0 : i32
      %parallel_loop3A_313 = vector.broadcast %parallel_loop3A_312 : i32 to vector<16xi32>
      %parallel_loop3A_314 = arith.addi %parallel_loop3A_252, %parallel_loop3A_313 : vector<16xi32>
      tpu.vector_store_idx %arg7[%parallel_loop3A_314, %parallel_loop3A_272], %parallel_loop3A_300 : memref<256x128xf32, #tpu.memory_space<vmem>>[vector<16xi32>, vector<16xi32>], vector<16xf32>,
      %parallel_loop3A_315 = arith.constant 0 : i32
      %parallel_loop3A_316 = vector.broadcast %parallel_loop3A_315 : i32 to vector<16xi32>
      %parallel_loop3A_317 = arith.addi %parallel_loop3A_252, %parallel_loop3A_316 : vector<16xi32>
      tpu.vector_store_idx %arg7[%parallel_loop3A_317, %parallel_loop3A_282], %parallel_loop3A_304 : memref<256x128xf32, #tpu.memory_space<vmem>>[vector<16xi32>, vector<16xi32>], vector<16xf32>,
      %parallel_loop3A_318 = arith.constant 0 : i32
      %parallel_loop3A_319 = vector.broadcast %parallel_loop3A_318 : i32 to vector<16xi32>
      %parallel_loop3A_320 = arith.addi %parallel_loop3A_252, %parallel_loop3A_319 : vector<16xi32>
      tpu.vector_store_idx %arg7[%parallel_loop3A_320, %parallel_loop3A_292], %parallel_loop3A_308 : memref<256x128xf32, #tpu.memory_space<vmem>>[vector<16xi32>, vector<16xi32>], vector<16xf32>,
    } {sc.loop_unroll_factor = 2 : i64, sc.parallel_access}
    %add3A_43 = arith.constant 0 : i32
    %add3A_44 = arith.addi %mul3A_2, %add3A_43 : i32
    %dma_start3A_45 = arith.constant 0 : i32
    %dma_start3A_46 = arith.constant 0 : i32
    %dma_start3A_47 = tpu.memref_slice %arg7[%dma_start3A_45, %dma_start3A_46] : memref<256x128xf32, #tpu.memory_space<vmem>> -> memref<64x128xf32, #tpu.memory_space<vmem>>
    %dma_start3A_48 = arith.constant 0 : i32
    %dma_start3A_49 = tpu.memref_slice %arg4[%dma_start3A_48, %add3A_44] : memref<64x16384xf32, #tpu.memory_space<hbm>> -> memref<64x128xf32, #tpu.memory_space<hbm>>
    %dma_start3A_50 = arith.constant 0 : i32
    %dma_start3A_51 = tpu.memref_slice %arg4[%dma_start3A_50, %add3A_44] : memref<64x16384xf32, #tpu.memory_space<hbm>> -> memref<64x128xf32, #tpu.memory_space<hbm>>
    %dma_start3A_52 = arith.constant 0 : i32
    %dma_start3A_53 = arith.constant 0 : i32
    %dma_start3A_54 = tpu.memref_slice %arg7[%dma_start3A_52, %dma_start3A_53] : memref<256x128xf32, #tpu.memory_space<vmem>> -> memref<64x128xf32, #tpu.memory_space<vmem>>
    tpu.enqueue_dma source(%dma_start3A_54 : memref<64x128xf32, #tpu.memory_space<vmem>>) target(%dma_start3A_51 : memref<64x128xf32, #tpu.memory_space<hbm>>) target_semaphore(%arg9 : memref<!tpu.dma_semaphore, #tpu.memory_space<semaphore_mem>>)
    %dma_wait3A_55 = arith.constant 128 : i32
    %dma_wait3A_56 = arith.constant 0 : i32
    %dma_wait3A_57 = tpu.memref_slice %arg6[%dma_wait3A_55, %dma_wait3A_56] : memref<512x128xf32, #tpu.memory_space<vmem>> -> memref<128x128xf32, #tpu.memory_space<vmem>>
    %dma_wait3A_58 = arith.constant 128 : i32
    %dma_wait3A_59 = tpu.memref_slice %arg5[%dma_wait3A_58] : memref<512xi32, #tpu.memory_space<vmem>> -> memref<128xi32, #tpu.memory_space<vmem>>
    %dma_wait3A_60 = arith.constant 0 : i32
    %dma_wait3A_61 = arith.constant 0 : i32
    %dma_wait3A_62 = tpu.memref_slice %arg2[%dma_wait3A_60, %dma_wait3A_61] : memref<4001x128xf32, #tpu.memory_space<hbm>> -> memref<4001x128xf32, #tpu.memory_space<hbm>>
    tpu.wait_indirect_dma semaphore(%arg8 : memref<!tpu.dma_semaphore, #tpu.memory_space<semaphore_mem>>) src(%dma_wait3A_62 : memref<4001x128xf32, #tpu.memory_space<hbm>>) dst(%dma_wait3A_57 : memref<128x128xf32, #tpu.memory_space<vmem>>)
    %parallel_loop3A_63 = arith.constant 0 : i32
    %parallel_loop3A_64 = arith.constant 128 : i32
    %parallel_loop3A_65 = arith.constant 1 : i32
    scf.for %parallel_loop3A_164 = %parallel_loop3A_63 to %parallel_loop3A_64 step %parallel_loop3A_65  : i32 {
      %parallel_loop3A_165 = arith.constant 32 : i32
      %parallel_loop3A_166 = arith.divsi %parallel_loop3A_164, %parallel_loop3A_165 : i32
      %parallel_loop3A_167 = arith.constant 0 : i32
      %parallel_loop3A_168 = arith.cmpi sgt, %parallel_loop3A_164, %parallel_loop3A_167 : i32
      %parallel_loop3A_169 = arith.extui %parallel_loop3A_168 : i1 to i32
      %parallel_loop3A_170 = arith.constant 0 : i32
      %parallel_loop3A_171 = arith.cmpi slt, %parallel_loop3A_164, %parallel_loop3A_170 : i32
      %parallel_loop3A_172 = arith.extui %parallel_loop3A_171 : i1 to i32
      %parallel_loop3A_173 = arith.subi %parallel_loop3A_169, %parallel_loop3A_172 : i32
      %parallel_loop3A_174 = arith.constant 0 : i32
      %parallel_loop3A_175 = arith.cmpi sgt, %parallel_loop3A_165, %parallel_loop3A_174 : i32
      %parallel_loop3A_176 = arith.extui %parallel_loop3A_175 : i1 to i32
      %parallel_loop3A_177 = arith.constant 0 : i32
      %parallel_loop3A_178 = arith.cmpi slt, %parallel_loop3A_165, %parallel_loop3A_177 : i32
      %parallel_loop3A_179 = arith.extui %parallel_loop3A_178 : i1 to i32
      %parallel_loop3A_180 = arith.subi %parallel_loop3A_176, %parallel_loop3A_179 : i32
      %parallel_loop3A_181 = arith.cmpi ne, %parallel_loop3A_173, %parallel_loop3A_180 : i32
      %parallel_loop3A_182 = arith.remsi %parallel_loop3A_164, %parallel_loop3A_165 : i32
      %parallel_loop3A_183 = arith.constant 0 : i32
      %parallel_loop3A_184 = arith.cmpi ne, %parallel_loop3A_182, %parallel_loop3A_183 : i32
      %parallel_loop3A_185 = arith.andi %parallel_loop3A_181, %parallel_loop3A_184 : i1
      %parallel_loop3A_186 = arith.constant 1 : i32
      %parallel_loop3A_187 = arith.subi %parallel_loop3A_166, %parallel_loop3A_186 : i32
      %parallel_loop3A_188 = arith.select %parallel_loop3A_185, %parallel_loop3A_187, %parallel_loop3A_166 : i32
      %parallel_loop3A_189 = arith.constant 32 : i32
      %parallel_loop3A_190 = arith.constant 0 : i32
      %parallel_loop3A_191 = arith.cmpi eq, %parallel_loop3A_189, %parallel_loop3A_190 : i32
      %parallel_loop3A_192 = arith.constant 1 : i32
      %parallel_loop3A_193 = arith.select %parallel_loop3A_191, %parallel_loop3A_192, %parallel_loop3A_189 : i32
      %parallel_loop3A_194 = arith.remsi %parallel_loop3A_164, %parallel_loop3A_193 : i32
      %parallel_loop3A_195 = arith.constant 0 : i32
      %parallel_loop3A_196 = arith.cmpi ne, %parallel_loop3A_194, %parallel_loop3A_195 : i32
      %parallel_loop3A_197 = arith.constant 0 : i32
      %parallel_loop3A_198 = arith.cmpi slt, %parallel_loop3A_194, %parallel_loop3A_197 : i32
      %parallel_loop3A_199 = arith.constant 0 : i32
      %parallel_loop3A_200 = arith.cmpi slt, %parallel_loop3A_193, %parallel_loop3A_199 : i32
      %parallel_loop3A_201 = arith.xori %parallel_loop3A_198, %parallel_loop3A_200 : i1
      %parallel_loop3A_202 = arith.andi %parallel_loop3A_201, %parallel_loop3A_196 : i1
      %parallel_loop3A_203 = arith.addi %parallel_loop3A_194, %parallel_loop3A_193 : i32
      %parallel_loop3A_204 = arith.select %parallel_loop3A_202, %parallel_loop3A_203, %parallel_loop3A_194 : i32
      %parallel_loop3A_205 = arith.constant 4 : i32
      %parallel_loop3A_206 = arith.divsi %parallel_loop3A_204, %parallel_loop3A_205 : i32
      %parallel_loop3A_207 = arith.constant 0 : i32
      %parallel_loop3A_208 = arith.cmpi sgt, %parallel_loop3A_204, %parallel_loop3A_207 : i32
      %parallel_loop3A_209 = arith.extui %parallel_loop3A_208 : i1 to i32
      %parallel_loop3A_210 = arith.constant 0 : i32
      %parallel_loop3A_211 = arith.cmpi slt, %parallel_loop3A_204, %parallel_loop3A_210 : i32
      %parallel_loop3A_212 = arith.extui %parallel_loop3A_211 : i1 to i32
      %parallel_loop3A_213 = arith.subi %parallel_loop3A_209, %parallel_loop3A_212 : i32
      %parallel_loop3A_214 = arith.constant 0 : i32
      %parallel_loop3A_215 = arith.cmpi sgt, %parallel_loop3A_205, %parallel_loop3A_214 : i32
      %parallel_loop3A_216 = arith.extui %parallel_loop3A_215 : i1 to i32
      %parallel_loop3A_217 = arith.constant 0 : i32
      %parallel_loop3A_218 = arith.cmpi slt, %parallel_loop3A_205, %parallel_loop3A_217 : i32
      %parallel_loop3A_219 = arith.extui %parallel_loop3A_218 : i1 to i32
      %parallel_loop3A_220 = arith.subi %parallel_loop3A_216, %parallel_loop3A_219 : i32
      %parallel_loop3A_221 = arith.cmpi ne, %parallel_loop3A_213, %parallel_loop3A_220 : i32
      %parallel_loop3A_222 = arith.remsi %parallel_loop3A_204, %parallel_loop3A_205 : i32
      %parallel_loop3A_223 = arith.constant 0 : i32
      %parallel_loop3A_224 = arith.cmpi ne, %parallel_loop3A_222, %parallel_loop3A_223 : i32
      %parallel_loop3A_225 = arith.andi %parallel_loop3A_221, %parallel_loop3A_224 : i1
      %parallel_loop3A_226 = arith.constant 1 : i32
      %parallel_loop3A_227 = arith.subi %parallel_loop3A_206, %parallel_loop3A_226 : i32
      %parallel_loop3A_228 = arith.select %parallel_loop3A_225, %parallel_loop3A_227, %parallel_loop3A_206 : i32
      %parallel_loop3A_229 = arith.constant 16 : i32
      %parallel_loop3A_230 = arith.muli %parallel_loop3A_228, %parallel_loop3A_229 : i32
      %parallel_loop3A_231 = arith.constant 4 : i32
      %parallel_loop3A_232 = arith.constant 0 : i32
      %parallel_loop3A_233 = arith.cmpi eq, %parallel_loop3A_231, %parallel_loop3A_232 : i32
      %parallel_loop3A_234 = arith.constant 1 : i32
      %parallel_loop3A_235 = arith.select %parallel_loop3A_233, %parallel_loop3A_234, %parallel_loop3A_231 : i32
      %parallel_loop3A_236 = arith.remsi %parallel_loop3A_204, %parallel_loop3A_235 : i32
      %parallel_loop3A_237 = arith.constant 0 : i32
      %parallel_loop3A_238 = arith.cmpi ne, %parallel_loop3A_236, %parallel_loop3A_237 : i32
      %parallel_loop3A_239 = arith.constant 0 : i32
      %parallel_loop3A_240 = arith.cmpi slt, %parallel_loop3A_236, %parallel_loop3A_239 : i32
      %parallel_loop3A_241 = arith.constant 0 : i32
      %parallel_loop3A_242 = arith.cmpi slt, %parallel_loop3A_235, %parallel_loop3A_241 : i32
      %parallel_loop3A_243 = arith.xori %parallel_loop3A_240, %parallel_loop3A_242 : i1
      %parallel_loop3A_244 = arith.andi %parallel_loop3A_243, %parallel_loop3A_238 : i1
      %parallel_loop3A_245 = arith.addi %parallel_loop3A_236, %parallel_loop3A_235 : i32
      %parallel_loop3A_246 = arith.select %parallel_loop3A_244, %parallel_loop3A_245, %parallel_loop3A_236 : i32
      %parallel_loop3A_247 = arith.constant 4 : i32
      %parallel_loop3A_248 = arith.muli %parallel_loop3A_246, %parallel_loop3A_247 : i32
      %parallel_loop3A_249 = arith.constant 16 : i32
      %parallel_loop3A_250 = arith.muli %parallel_loop3A_188, %parallel_loop3A_249 : i32
      %parallel_loop3A_251 = vector.broadcast %parallel_loop3A_250 : i32 to vector<16xi32>
      %parallel_loop3A_252 = arith.addi %iota3A, %parallel_loop3A_251 : vector<16xi32>
      %parallel_loop3A_253 = vector.broadcast %parallel_loop3A_248 : i32 to vector<16xi32>
      %parallel_loop3A_254 = arith.addi %iota3A, %parallel_loop3A_253 : vector<16xi32>
      %parallel_loop3A_255 = arith.constant 0 : i32
      %parallel_loop3A_256 = vector.broadcast %parallel_loop3A_255 : i32 to vector<16xi32>
      %parallel_loop3A_257 = arith.addi %parallel_loop3A_254, %parallel_loop3A_256 : vector<16xi32>
      %parallel_loop3A_258 = arith.constant 15 : i32
      %parallel_loop3A_259 = vector.broadcast %parallel_loop3A_258 : i32 to vector<16xi32>
      %parallel_loop3A_260 = arith.andi %parallel_loop3A_257, %parallel_loop3A_259 : vector<16xi32>
      %parallel_loop3A_261 = vector.broadcast %parallel_loop3A_230 : i32 to vector<16xi32>
      %parallel_loop3A_262 = arith.addi %parallel_loop3A_260, %parallel_loop3A_261 : vector<16xi32>
      %parallel_loop3A_263 = vector.broadcast %parallel_loop3A_248 : i32 to vector<16xi32>
      %parallel_loop3A_264 = arith.addi %iota3A, %parallel_loop3A_263 : vector<16xi32>
      %parallel_loop3A_265 = arith.constant 1 : i32
      %parallel_loop3A_266 = vector.broadcast %parallel_loop3A_265 : i32 to vector<16xi32>
      %parallel_loop3A_267 = arith.addi %parallel_loop3A_264, %parallel_loop3A_266 : vector<16xi32>
      %parallel_loop3A_268 = arith.constant 15 : i32
      %parallel_loop3A_269 = vector.broadcast %parallel_loop3A_268 : i32 to vector<16xi32>
      %parallel_loop3A_270 = arith.andi %parallel_loop3A_267, %parallel_loop3A_269 : vector<16xi32>
      %parallel_loop3A_271 = vector.broadcast %parallel_loop3A_230 : i32 to vector<16xi32>
      %parallel_loop3A_272 = arith.addi %parallel_loop3A_270, %parallel_loop3A_271 : vector<16xi32>
      %parallel_loop3A_273 = vector.broadcast %parallel_loop3A_248 : i32 to vector<16xi32>
      %parallel_loop3A_274 = arith.addi %iota3A, %parallel_loop3A_273 : vector<16xi32>
      %parallel_loop3A_275 = arith.constant 2 : i32
      %parallel_loop3A_276 = vector.broadcast %parallel_loop3A_275 : i32 to vector<16xi32>
      %parallel_loop3A_277 = arith.addi %parallel_loop3A_274, %parallel_loop3A_276 : vector<16xi32>
      %parallel_loop3A_278 = arith.constant 15 : i32
      %parallel_loop3A_279 = vector.broadcast %parallel_loop3A_278 : i32 to vector<16xi32>
      %parallel_loop3A_280 = arith.andi %parallel_loop3A_277, %parallel_loop3A_279 : vector<16xi32>
      %parallel_loop3A_281 = vector.broadcast %parallel_loop3A_230 : i32 to vector<16xi32>
      %parallel_loop3A_282 = arith.addi %parallel_loop3A_280, %parallel_loop3A_281 : vector<16xi32>
      %parallel_loop3A_283 = vector.broadcast %parallel_loop3A_248 : i32 to vector<16xi32>
      %parallel_loop3A_284 = arith.addi %iota3A, %parallel_loop3A_283 : vector<16xi32>
      %parallel_loop3A_285 = arith.constant 3 : i32
      %parallel_loop3A_286 = vector.broadcast %parallel_loop3A_285 : i32 to vector<16xi32>
      %parallel_loop3A_287 = arith.addi %parallel_loop3A_284, %parallel_loop3A_286 : vector<16xi32>
      %parallel_loop3A_288 = arith.constant 15 : i32
      %parallel_loop3A_289 = vector.broadcast %parallel_loop3A_288 : i32 to vector<16xi32>
      %parallel_loop3A_290 = arith.andi %parallel_loop3A_287, %parallel_loop3A_289 : vector<16xi32>
      %parallel_loop3A_291 = vector.broadcast %parallel_loop3A_230 : i32 to vector<16xi32>
      %parallel_loop3A_292 = arith.addi %parallel_loop3A_290, %parallel_loop3A_291 : vector<16xi32>
      %parallel_loop3A_293 = arith.constant 128 : i32
      %parallel_loop3A_294 = vector.broadcast %parallel_loop3A_293 : i32 to vector<16xi32>
      %parallel_loop3A_295 = arith.addi %parallel_loop3A_262, %parallel_loop3A_294 : vector<16xi32>
      %parallel_loop3A_296 = tpu.vector_load_idx %arg6[%parallel_loop3A_295, %parallel_loop3A_252] : memref<512x128xf32, #tpu.memory_space<vmem>>[vector<16xi32>, vector<16xi32>], vector<16xf32>,
      %parallel_loop3A_297 = arith.constant 128 : i32
      %parallel_loop3A_298 = vector.broadcast %parallel_loop3A_297 : i32 to vector<16xi32>
      %parallel_loop3A_299 = arith.addi %parallel_loop3A_272, %parallel_loop3A_298 : vector<16xi32>
      %parallel_loop3A_300 = tpu.vector_load_idx %arg6[%parallel_loop3A_299, %parallel_loop3A_252] : memref<512x128xf32, #tpu.memory_space<vmem>>[vector<16xi32>, vector<16xi32>], vector<16xf32>,
      %parallel_loop3A_301 = arith.constant 128 : i32
      %parallel_loop3A_302 = vector.broadcast %parallel_loop3A_301 : i32 to vector<16xi32>
      %parallel_loop3A_303 = arith.addi %parallel_loop3A_282, %parallel_loop3A_302 : vector<16xi32>
      %parallel_loop3A_304 = tpu.vector_load_idx %arg6[%parallel_loop3A_303, %parallel_loop3A_252] : memref<512x128xf32, #tpu.memory_space<vmem>>[vector<16xi32>, vector<16xi32>], vector<16xf32>,
      %parallel_loop3A_305 = arith.constant 128 : i32
      %parallel_loop3A_306 = vector.broadcast %parallel_loop3A_305 : i32 to vector<16xi32>
      %parallel_loop3A_307 = arith.addi %parallel_loop3A_292, %parallel_loop3A_306 : vector<16xi32>
      %parallel_loop3A_308 = tpu.vector_load_idx %arg6[%parallel_loop3A_307, %parallel_loop3A_252] : memref<512x128xf32, #tpu.memory_space<vmem>>[vector<16xi32>, vector<16xi32>], vector<16xf32>,
      %parallel_loop3A_309 = arith.constant 64 : i32
      %parallel_loop3A_310 = vector.broadcast %parallel_loop3A_309 : i32 to vector<16xi32>
      %parallel_loop3A_311 = arith.addi %parallel_loop3A_252, %parallel_loop3A_310 : vector<16xi32>
      tpu.vector_store_idx %arg7[%parallel_loop3A_311, %parallel_loop3A_262], %parallel_loop3A_296 : memref<256x128xf32, #tpu.memory_space<vmem>>[vector<16xi32>, vector<16xi32>], vector<16xf32>,
      %parallel_loop3A_312 = arith.constant 64 : i32
      %parallel_loop3A_313 = vector.broadcast %parallel_loop3A_312 : i32 to vector<16xi32>
      %parallel_loop3A_314 = arith.addi %parallel_loop3A_252, %parallel_loop3A_313 : vector<16xi32>
      tpu.vector_store_idx %arg7[%parallel_loop3A_314, %parallel_loop3A_272], %parallel_loop3A_300 : memref<256x128xf32, #tpu.memory_space<vmem>>[vector<16xi32>, vector<16xi32>], vector<16xf32>,
      %parallel_loop3A_315 = arith.constant 64 : i32
      %parallel_loop3A_316 = vector.broadcast %parallel_loop3A_315 : i32 to vector<16xi32>
      %parallel_loop3A_317 = arith.addi %parallel_loop3A_252, %parallel_loop3A_316 : vector<16xi32>
      tpu.vector_store_idx %arg7[%parallel_loop3A_317, %parallel_loop3A_282], %parallel_loop3A_304 : memref<256x128xf32, #tpu.memory_space<vmem>>[vector<16xi32>, vector<16xi32>], vector<16xf32>,
      %parallel_loop3A_318 = arith.constant 64 : i32
      %parallel_loop3A_319 = vector.broadcast %parallel_loop3A_318 : i32 to vector<16xi32>
      %parallel_loop3A_320 = arith.addi %parallel_loop3A_252, %parallel_loop3A_319 : vector<16xi32>
      tpu.vector_store_idx %arg7[%parallel_loop3A_320, %parallel_loop3A_292], %parallel_loop3A_308 : memref<256x128xf32, #tpu.memory_space<vmem>>[vector<16xi32>, vector<16xi32>], vector<16xf32>,
    } {sc.loop_unroll_factor = 2 : i64, sc.parallel_access}
    %add3A_66 = arith.constant 128 : i32
    %add3A_67 = arith.addi %mul3A_2, %add3A_66 : i32
    %dma_start3A_68 = arith.constant 64 : i32
    %dma_start3A_69 = arith.constant 0 : i32
    %dma_start3A_70 = tpu.memref_slice %arg7[%dma_start3A_68, %dma_start3A_69] : memref<256x128xf32, #tpu.memory_space<vmem>> -> memref<64x128xf32, #tpu.memory_space<vmem>>
    %dma_start3A_71 = arith.constant 0 : i32
    %dma_start3A_72 = tpu.memref_slice %arg4[%dma_start3A_71, %add3A_67] : memref<64x16384xf32, #tpu.memory_space<hbm>> -> memref<64x128xf32, #tpu.memory_space<hbm>>
    %dma_start3A_73 = arith.constant 0 : i32
    %dma_start3A_74 = tpu.memref_slice %arg4[%dma_start3A_73, %add3A_67] : memref<64x16384xf32, #tpu.memory_space<hbm>> -> memref<64x128xf32, #tpu.memory_space<hbm>>
    %dma_start3A_75 = arith.constant 64 : i32
    %dma_start3A_76 = arith.constant 0 : i32
    %dma_start3A_77 = tpu.memref_slice %arg7[%dma_start3A_75, %dma_start3A_76] : memref<256x128xf32, #tpu.memory_space<vmem>> -> memref<64x128xf32, #tpu.memory_space<vmem>>
    tpu.enqueue_dma source(%dma_start3A_77 : memref<64x128xf32, #tpu.memory_space<vmem>>) target(%dma_start3A_74 : memref<64x128xf32, #tpu.memory_space<hbm>>) target_semaphore(%arg9 : memref<!tpu.dma_semaphore, #tpu.memory_space<semaphore_mem>>)
    %dma_wait3A_78 = arith.constant 256 : i32
    %dma_wait3A_79 = arith.constant 0 : i32
    %dma_wait3A_80 = tpu.memref_slice %arg6[%dma_wait3A_78, %dma_wait3A_79] : memref<512x128xf32, #tpu.memory_space<vmem>> -> memref<128x128xf32, #tpu.memory_space<vmem>>
    %dma_wait3A_81 = arith.constant 256 : i32
    %dma_wait3A_82 = tpu.memref_slice %arg5[%dma_wait3A_81] : memref<512xi32, #tpu.memory_space<vmem>> -> memref<128xi32, #tpu.memory_space<vmem>>
    %dma_wait3A_83 = arith.constant 0 : i32
    %dma_wait3A_84 = arith.constant 0 : i32
    %dma_wait3A_85 = tpu.memref_slice %arg2[%dma_wait3A_83, %dma_wait3A_84] : memref<4001x128xf32, #tpu.memory_space<hbm>> -> memref<4001x128xf32, #tpu.memory_space<hbm>>
    tpu.wait_indirect_dma semaphore(%arg8 : memref<!tpu.dma_semaphore, #tpu.memory_space<semaphore_mem>>) src(%dma_wait3A_85 : memref<4001x128xf32, #tpu.memory_space<hbm>>) dst(%dma_wait3A_80 : memref<128x128xf32, #tpu.memory_space<vmem>>)
    %parallel_loop3A_86 = arith.constant 0 : i32
    %parallel_loop3A_87 = arith.constant 128 : i32
    %parallel_loop3A_88 = arith.constant 1 : i32
    scf.for %parallel_loop3A_164 = %parallel_loop3A_86 to %parallel_loop3A_87 step %parallel_loop3A_88  : i32 {
      %parallel_loop3A_165 = arith.constant 32 : i32
      %parallel_loop3A_166 = arith.divsi %parallel_loop3A_164, %parallel_loop3A_165 : i32
      %parallel_loop3A_167 = arith.constant 0 : i32
      %parallel_loop3A_168 = arith.cmpi sgt, %parallel_loop3A_164, %parallel_loop3A_167 : i32
      %parallel_loop3A_169 = arith.extui %parallel_loop3A_168 : i1 to i32
      %parallel_loop3A_170 = arith.constant 0 : i32
      %parallel_loop3A_171 = arith.cmpi slt, %parallel_loop3A_164, %parallel_loop3A_170 : i32
      %parallel_loop3A_172 = arith.extui %parallel_loop3A_171 : i1 to i32
      %parallel_loop3A_173 = arith.subi %parallel_loop3A_169, %parallel_loop3A_172 : i32
      %parallel_loop3A_174 = arith.constant 0 : i32
      %parallel_loop3A_175 = arith.cmpi sgt, %parallel_loop3A_165, %parallel_loop3A_174 : i32
      %parallel_loop3A_176 = arith.extui %parallel_loop3A_175 : i1 to i32
      %parallel_loop3A_177 = arith.constant 0 : i32
      %parallel_loop3A_178 = arith.cmpi slt, %parallel_loop3A_165, %parallel_loop3A_177 : i32
      %parallel_loop3A_179 = arith.extui %parallel_loop3A_178 : i1 to i32
      %parallel_loop3A_180 = arith.subi %parallel_loop3A_176, %parallel_loop3A_179 : i32
      %parallel_loop3A_181 = arith.cmpi ne, %parallel_loop3A_173, %parallel_loop3A_180 : i32
      %parallel_loop3A_182 = arith.remsi %parallel_loop3A_164, %parallel_loop3A_165 : i32
      %parallel_loop3A_183 = arith.constant 0 : i32
      %parallel_loop3A_184 = arith.cmpi ne, %parallel_loop3A_182, %parallel_loop3A_183 : i32
      %parallel_loop3A_185 = arith.andi %parallel_loop3A_181, %parallel_loop3A_184 : i1
      %parallel_loop3A_186 = arith.constant 1 : i32
      %parallel_loop3A_187 = arith.subi %parallel_loop3A_166, %parallel_loop3A_186 : i32
      %parallel_loop3A_188 = arith.select %parallel_loop3A_185, %parallel_loop3A_187, %parallel_loop3A_166 : i32
      %parallel_loop3A_189 = arith.constant 32 : i32
      %parallel_loop3A_190 = arith.constant 0 : i32
      %parallel_loop3A_191 = arith.cmpi eq, %parallel_loop3A_189, %parallel_loop3A_190 : i32
      %parallel_loop3A_192 = arith.constant 1 : i32
      %parallel_loop3A_193 = arith.select %parallel_loop3A_191, %parallel_loop3A_192, %parallel_loop3A_189 : i32
      %parallel_loop3A_194 = arith.remsi %parallel_loop3A_164, %parallel_loop3A_193 : i32
      %parallel_loop3A_195 = arith.constant 0 : i32
      %parallel_loop3A_196 = arith.cmpi ne, %parallel_loop3A_194, %parallel_loop3A_195 : i32
      %parallel_loop3A_197 = arith.constant 0 : i32
      %parallel_loop3A_198 = arith.cmpi slt, %parallel_loop3A_194, %parallel_loop3A_197 : i32
      %parallel_loop3A_199 = arith.constant 0 : i32
      %parallel_loop3A_200 = arith.cmpi slt, %parallel_loop3A_193, %parallel_loop3A_199 : i32
      %parallel_loop3A_201 = arith.xori %parallel_loop3A_198, %parallel_loop3A_200 : i1
      %parallel_loop3A_202 = arith.andi %parallel_loop3A_201, %parallel_loop3A_196 : i1
      %parallel_loop3A_203 = arith.addi %parallel_loop3A_194, %parallel_loop3A_193 : i32
      %parallel_loop3A_204 = arith.select %parallel_loop3A_202, %parallel_loop3A_203, %parallel_loop3A_194 : i32
      %parallel_loop3A_205 = arith.constant 4 : i32
      %parallel_loop3A_206 = arith.divsi %parallel_loop3A_204, %parallel_loop3A_205 : i32
      %parallel_loop3A_207 = arith.constant 0 : i32
      %parallel_loop3A_208 = arith.cmpi sgt, %parallel_loop3A_204, %parallel_loop3A_207 : i32
      %parallel_loop3A_209 = arith.extui %parallel_loop3A_208 : i1 to i32
      %parallel_loop3A_210 = arith.constant 0 : i32
      %parallel_loop3A_211 = arith.cmpi slt, %parallel_loop3A_204, %parallel_loop3A_210 : i32
      %parallel_loop3A_212 = arith.extui %parallel_loop3A_211 : i1 to i32
      %parallel_loop3A_213 = arith.subi %parallel_loop3A_209, %parallel_loop3A_212 : i32
      %parallel_loop3A_214 = arith.constant 0 : i32
      %parallel_loop3A_215 = arith.cmpi sgt, %parallel_loop3A_205, %parallel_loop3A_214 : i32
      %parallel_loop3A_216 = arith.extui %parallel_loop3A_215 : i1 to i32
      %parallel_loop3A_217 = arith.constant 0 : i32
      %parallel_loop3A_218 = arith.cmpi slt, %parallel_loop3A_205, %parallel_loop3A_217 : i32
      %parallel_loop3A_219 = arith.extui %parallel_loop3A_218 : i1 to i32
      %parallel_loop3A_220 = arith.subi %parallel_loop3A_216, %parallel_loop3A_219 : i32
      %parallel_loop3A_221 = arith.cmpi ne, %parallel_loop3A_213, %parallel_loop3A_220 : i32
      %parallel_loop3A_222 = arith.remsi %parallel_loop3A_204, %parallel_loop3A_205 : i32
      %parallel_loop3A_223 = arith.constant 0 : i32
      %parallel_loop3A_224 = arith.cmpi ne, %parallel_loop3A_222, %parallel_loop3A_223 : i32
      %parallel_loop3A_225 = arith.andi %parallel_loop3A_221, %parallel_loop3A_224 : i1
      %parallel_loop3A_226 = arith.constant 1 : i32
      %parallel_loop3A_227 = arith.subi %parallel_loop3A_206, %parallel_loop3A_226 : i32
      %parallel_loop3A_228 = arith.select %parallel_loop3A_225, %parallel_loop3A_227, %parallel_loop3A_206 : i32
      %parallel_loop3A_229 = arith.constant 16 : i32
      %parallel_loop3A_230 = arith.muli %parallel_loop3A_228, %parallel_loop3A_229 : i32
      %parallel_loop3A_231 = arith.constant 4 : i32
      %parallel_loop3A_232 = arith.constant 0 : i32
      %parallel_loop3A_233 = arith.cmpi eq, %parallel_loop3A_231, %parallel_loop3A_232 : i32
      %parallel_loop3A_234 = arith.constant 1 : i32
      %parallel_loop3A_235 = arith.select %parallel_loop3A_233, %parallel_loop3A_234, %parallel_loop3A_231 : i32
      %parallel_loop3A_236 = arith.remsi %parallel_loop3A_204, %parallel_loop3A_235 : i32
      %parallel_loop3A_237 = arith.constant 0 : i32
      %parallel_loop3A_238 = arith.cmpi ne, %parallel_loop3A_236, %parallel_loop3A_237 : i32
      %parallel_loop3A_239 = arith.constant 0 : i32
      %parallel_loop3A_240 = arith.cmpi slt, %parallel_loop3A_236, %parallel_loop3A_239 : i32
      %parallel_loop3A_241 = arith.constant 0 : i32
      %parallel_loop3A_242 = arith.cmpi slt, %parallel_loop3A_235, %parallel_loop3A_241 : i32
      %parallel_loop3A_243 = arith.xori %parallel_loop3A_240, %parallel_loop3A_242 : i1
      %parallel_loop3A_244 = arith.andi %parallel_loop3A_243, %parallel_loop3A_238 : i1
      %parallel_loop3A_245 = arith.addi %parallel_loop3A_236, %parallel_loop3A_235 : i32
      %parallel_loop3A_246 = arith.select %parallel_loop3A_244, %parallel_loop3A_245, %parallel_loop3A_236 : i32
      %parallel_loop3A_247 = arith.constant 4 : i32
      %parallel_loop3A_248 = arith.muli %parallel_loop3A_246, %parallel_loop3A_247 : i32
      %parallel_loop3A_249 = arith.constant 16 : i32
      %parallel_loop3A_250 = arith.muli %parallel_loop3A_188, %parallel_loop3A_249 : i32
      %parallel_loop3A_251 = vector.broadcast %parallel_loop3A_250 : i32 to vector<16xi32>
      %parallel_loop3A_252 = arith.addi %iota3A, %parallel_loop3A_251 : vector<16xi32>
      %parallel_loop3A_253 = vector.broadcast %parallel_loop3A_248 : i32 to vector<16xi32>
      %parallel_loop3A_254 = arith.addi %iota3A, %parallel_loop3A_253 : vector<16xi32>
      %parallel_loop3A_255 = arith.constant 0 : i32
      %parallel_loop3A_256 = vector.broadcast %parallel_loop3A_255 : i32 to vector<16xi32>
      %parallel_loop3A_257 = arith.addi %parallel_loop3A_254, %parallel_loop3A_256 : vector<16xi32>
      %parallel_loop3A_258 = arith.constant 15 : i32
      %parallel_loop3A_259 = vector.broadcast %parallel_loop3A_258 : i32 to vector<16xi32>
      %parallel_loop3A_260 = arith.andi %parallel_loop3A_257, %parallel_loop3A_259 : vector<16xi32>
      %parallel_loop3A_261 = vector.broadcast %parallel_loop3A_230 : i32 to vector<16xi32>
      %parallel_loop3A_262 = arith.addi %parallel_loop3A_260, %parallel_loop3A_261 : vector<16xi32>
      %parallel_loop3A_263 = vector.broadcast %parallel_loop3A_248 : i32 to vector<16xi32>
      %parallel_loop3A_264 = arith.addi %iota3A, %parallel_loop3A_263 : vector<16xi32>
      %parallel_loop3A_265 = arith.constant 1 : i32
      %parallel_loop3A_266 = vector.broadcast %parallel_loop3A_265 : i32 to vector<16xi32>
      %parallel_loop3A_267 = arith.addi %parallel_loop3A_264, %parallel_loop3A_266 : vector<16xi32>
      %parallel_loop3A_268 = arith.constant 15 : i32
      %parallel_loop3A_269 = vector.broadcast %parallel_loop3A_268 : i32 to vector<16xi32>
      %parallel_loop3A_270 = arith.andi %parallel_loop3A_267, %parallel_loop3A_269 : vector<16xi32>
      %parallel_loop3A_271 = vector.broadcast %parallel_loop3A_230 : i32 to vector<16xi32>
      %parallel_loop3A_272 = arith.addi %parallel_loop3A_270, %parallel_loop3A_271 : vector<16xi32>
      %parallel_loop3A_273 = vector.broadcast %parallel_loop3A_248 : i32 to vector<16xi32>
      %parallel_loop3A_274 = arith.addi %iota3A, %parallel_loop3A_273 : vector<16xi32>
      %parallel_loop3A_275 = arith.constant 2 : i32
      %parallel_loop3A_276 = vector.broadcast %parallel_loop3A_275 : i32 to vector<16xi32>
      %parallel_loop3A_277 = arith.addi %parallel_loop3A_274, %parallel_loop3A_276 : vector<16xi32>
      %parallel_loop3A_278 = arith.constant 15 : i32
      %parallel_loop3A_279 = vector.broadcast %parallel_loop3A_278 : i32 to vector<16xi32>
      %parallel_loop3A_280 = arith.andi %parallel_loop3A_277, %parallel_loop3A_279 : vector<16xi32>
      %parallel_loop3A_281 = vector.broadcast %parallel_loop3A_230 : i32 to vector<16xi32>
      %parallel_loop3A_282 = arith.addi %parallel_loop3A_280, %parallel_loop3A_281 : vector<16xi32>
      %parallel_loop3A_283 = vector.broadcast %parallel_loop3A_248 : i32 to vector<16xi32>
      %parallel_loop3A_284 = arith.addi %iota3A, %parallel_loop3A_283 : vector<16xi32>
      %parallel_loop3A_285 = arith.constant 3 : i32
      %parallel_loop3A_286 = vector.broadcast %parallel_loop3A_285 : i32 to vector<16xi32>
      %parallel_loop3A_287 = arith.addi %parallel_loop3A_284, %parallel_loop3A_286 : vector<16xi32>
      %parallel_loop3A_288 = arith.constant 15 : i32
      %parallel_loop3A_289 = vector.broadcast %parallel_loop3A_288 : i32 to vector<16xi32>
      %parallel_loop3A_290 = arith.andi %parallel_loop3A_287, %parallel_loop3A_289 : vector<16xi32>
      %parallel_loop3A_291 = vector.broadcast %parallel_loop3A_230 : i32 to vector<16xi32>
      %parallel_loop3A_292 = arith.addi %parallel_loop3A_290, %parallel_loop3A_291 : vector<16xi32>
      %parallel_loop3A_293 = arith.constant 256 : i32
      %parallel_loop3A_294 = vector.broadcast %parallel_loop3A_293 : i32 to vector<16xi32>
      %parallel_loop3A_295 = arith.addi %parallel_loop3A_262, %parallel_loop3A_294 : vector<16xi32>
      %parallel_loop3A_296 = tpu.vector_load_idx %arg6[%parallel_loop3A_295, %parallel_loop3A_252] : memref<512x128xf32, #tpu.memory_space<vmem>>[vector<16xi32>, vector<16xi32>], vector<16xf32>,
      %parallel_loop3A_297 = arith.constant 256 : i32
      %parallel_loop3A_298 = vector.broadcast %parallel_loop3A_297 : i32 to vector<16xi32>
      %parallel_loop3A_299 = arith.addi %parallel_loop3A_272, %parallel_loop3A_298 : vector<16xi32>
      %parallel_loop3A_300 = tpu.vector_load_idx %arg6[%parallel_loop3A_299, %parallel_loop3A_252] : memref<512x128xf32, #tpu.memory_space<vmem>>[vector<16xi32>, vector<16xi32>], vector<16xf32>,
      %parallel_loop3A_301 = arith.constant 256 : i32
      %parallel_loop3A_302 = vector.broadcast %parallel_loop3A_301 : i32 to vector<16xi32>
      %parallel_loop3A_303 = arith.addi %parallel_loop3A_282, %parallel_loop3A_302 : vector<16xi32>
      %parallel_loop3A_304 = tpu.vector_load_idx %arg6[%parallel_loop3A_303, %parallel_loop3A_252] : memref<512x128xf32, #tpu.memory_space<vmem>>[vector<16xi32>, vector<16xi32>], vector<16xf32>,
      %parallel_loop3A_305 = arith.constant 256 : i32
      %parallel_loop3A_306 = vector.broadcast %parallel_loop3A_305 : i32 to vector<16xi32>
      %parallel_loop3A_307 = arith.addi %parallel_loop3A_292, %parallel_loop3A_306 : vector<16xi32>
      %parallel_loop3A_308 = tpu.vector_load_idx %arg6[%parallel_loop3A_307, %parallel_loop3A_252] : memref<512x128xf32, #tpu.memory_space<vmem>>[vector<16xi32>, vector<16xi32>], vector<16xf32>,
      %parallel_loop3A_309 = arith.constant 128 : i32
      %parallel_loop3A_310 = vector.broadcast %parallel_loop3A_309 : i32 to vector<16xi32>
      %parallel_loop3A_311 = arith.addi %parallel_loop3A_252, %parallel_loop3A_310 : vector<16xi32>
      tpu.vector_store_idx %arg7[%parallel_loop3A_311, %parallel_loop3A_262], %parallel_loop3A_296 : memref<256x128xf32, #tpu.memory_space<vmem>>[vector<16xi32>, vector<16xi32>], vector<16xf32>,
      %parallel_loop3A_312 = arith.constant 128 : i32
      %parallel_loop3A_313 = vector.broadcast %parallel_loop3A_312 : i32 to vector<16xi32>
      %parallel_loop3A_314 = arith.addi %parallel_loop3A_252, %parallel_loop3A_313 : vector<16xi32>
      tpu.vector_store_idx %arg7[%parallel_loop3A_314, %parallel_loop3A_272], %parallel_loop3A_300 : memref<256x128xf32, #tpu.memory_space<vmem>>[vector<16xi32>, vector<16xi32>], vector<16xf32>,
      %parallel_loop3A_315 = arith.constant 128 : i32
      %parallel_loop3A_316 = vector.broadcast %parallel_loop3A_315 : i32 to vector<16xi32>
      %parallel_loop3A_317 = arith.addi %parallel_loop3A_252, %parallel_loop3A_316 : vector<16xi32>
      tpu.vector_store_idx %arg7[%parallel_loop3A_317, %parallel_loop3A_282], %parallel_loop3A_304 : memref<256x128xf32, #tpu.memory_space<vmem>>[vector<16xi32>, vector<16xi32>], vector<16xf32>,
      %parallel_loop3A_318 = arith.constant 128 : i32
      %parallel_loop3A_319 = vector.broadcast %parallel_loop3A_318 : i32 to vector<16xi32>
      %parallel_loop3A_320 = arith.addi %parallel_loop3A_252, %parallel_loop3A_319 : vector<16xi32>
      tpu.vector_store_idx %arg7[%parallel_loop3A_320, %parallel_loop3A_292], %parallel_loop3A_308 : memref<256x128xf32, #tpu.memory_space<vmem>>[vector<16xi32>, vector<16xi32>], vector<16xf32>,
    } {sc.loop_unroll_factor = 2 : i64, sc.parallel_access}
    %add3A_89 = arith.constant 256 : i32
    %add3A_90 = arith.addi %mul3A_2, %add3A_89 : i32
    %dma_start3A_91 = arith.constant 128 : i32
    %dma_start3A_92 = arith.constant 0 : i32
    %dma_start3A_93 = tpu.memref_slice %arg7[%dma_start3A_91, %dma_start3A_92] : memref<256x128xf32, #tpu.memory_space<vmem>> -> memref<64x128xf32, #tpu.memory_space<vmem>>
    %dma_start3A_94 = arith.constant 0 : i32
    %dma_start3A_95 = tpu.memref_slice %arg4[%dma_start3A_94, %add3A_90] : memref<64x16384xf32, #tpu.memory_space<hbm>> -> memref<64x128xf32, #tpu.memory_space<hbm>>
    %dma_start3A_96 = arith.constant 0 : i32
    %dma_start3A_97 = tpu.memref_slice %arg4[%dma_start3A_96, %add3A_90] : memref<64x16384xf32, #tpu.memory_space<hbm>> -> memref<64x128xf32, #tpu.memory_space<hbm>>
    %dma_start3A_98 = arith.constant 128 : i32
    %dma_start3A_99 = arith.constant 0 : i32
    %dma_start3A_100 = tpu.memref_slice %arg7[%dma_start3A_98, %dma_start3A_99] : memref<256x128xf32, #tpu.memory_space<vmem>> -> memref<64x128xf32, #tpu.memory_space<vmem>>
    tpu.enqueue_dma source(%dma_start3A_100 : memref<64x128xf32, #tpu.memory_space<vmem>>) target(%dma_start3A_97 : memref<64x128xf32, #tpu.memory_space<hbm>>) target_semaphore(%arg9 : memref<!tpu.dma_semaphore, #tpu.memory_space<semaphore_mem>>)
    %dma_wait3A_101 = arith.constant 384 : i32
    %dma_wait3A_102 = arith.constant 0 : i32
    %dma_wait3A_103 = tpu.memref_slice %arg6[%dma_wait3A_101, %dma_wait3A_102] : memref<512x128xf32, #tpu.memory_space<vmem>> -> memref<128x128xf32, #tpu.memory_space<vmem>>
    %dma_wait3A_104 = arith.constant 384 : i32
    %dma_wait3A_105 = tpu.memref_slice %arg5[%dma_wait3A_104] : memref<512xi32, #tpu.memory_space<vmem>> -> memref<128xi32, #tpu.memory_space<vmem>>
    %dma_wait3A_106 = arith.constant 0 : i32
    %dma_wait3A_107 = arith.constant 0 : i32
    %dma_wait3A_108 = tpu.memref_slice %arg2[%dma_wait3A_106, %dma_wait3A_107] : memref<4001x128xf32, #tpu.memory_space<hbm>> -> memref<4001x128xf32, #tpu.memory_space<hbm>>
    tpu.wait_indirect_dma semaphore(%arg8 : memref<!tpu.dma_semaphore, #tpu.memory_space<semaphore_mem>>) src(%dma_wait3A_108 : memref<4001x128xf32, #tpu.memory_space<hbm>>) dst(%dma_wait3A_103 : memref<128x128xf32, #tpu.memory_space<vmem>>)
    %parallel_loop3A_109 = arith.constant 0 : i32
    %parallel_loop3A_110 = arith.constant 128 : i32
    %parallel_loop3A_111 = arith.constant 1 : i32
    scf.for %parallel_loop3A_164 = %parallel_loop3A_109 to %parallel_loop3A_110 step %parallel_loop3A_111  : i32 {
      %parallel_loop3A_165 = arith.constant 32 : i32
      %parallel_loop3A_166 = arith.divsi %parallel_loop3A_164, %parallel_loop3A_165 : i32
      %parallel_loop3A_167 = arith.constant 0 : i32
      %parallel_loop3A_168 = arith.cmpi sgt, %parallel_loop3A_164, %parallel_loop3A_167 : i32
      %parallel_loop3A_169 = arith.extui %parallel_loop3A_168 : i1 to i32
      %parallel_loop3A_170 = arith.constant 0 : i32
      %parallel_loop3A_171 = arith.cmpi slt, %parallel_loop3A_164, %parallel_loop3A_170 : i32
      %parallel_loop3A_172 = arith.extui %parallel_loop3A_171 : i1 to i32
      %parallel_loop3A_173 = arith.subi %parallel_loop3A_169, %parallel_loop3A_172 : i32
      %parallel_loop3A_174 = arith.constant 0 : i32
      %parallel_loop3A_175 = arith.cmpi sgt, %parallel_loop3A_165, %parallel_loop3A_174 : i32
      %parallel_loop3A_176 = arith.extui %parallel_loop3A_175 : i1 to i32
      %parallel_loop3A_177 = arith.constant 0 : i32
      %parallel_loop3A_178 = arith.cmpi slt, %parallel_loop3A_165, %parallel_loop3A_177 : i32
      %parallel_loop3A_179 = arith.extui %parallel_loop3A_178 : i1 to i32
      %parallel_loop3A_180 = arith.subi %parallel_loop3A_176, %parallel_loop3A_179 : i32
      %parallel_loop3A_181 = arith.cmpi ne, %parallel_loop3A_173, %parallel_loop3A_180 : i32
      %parallel_loop3A_182 = arith.remsi %parallel_loop3A_164, %parallel_loop3A_165 : i32
      %parallel_loop3A_183 = arith.constant 0 : i32
      %parallel_loop3A_184 = arith.cmpi ne, %parallel_loop3A_182, %parallel_loop3A_183 : i32
      %parallel_loop3A_185 = arith.andi %parallel_loop3A_181, %parallel_loop3A_184 : i1
      %parallel_loop3A_186 = arith.constant 1 : i32
      %parallel_loop3A_187 = arith.subi %parallel_loop3A_166, %parallel_loop3A_186 : i32
      %parallel_loop3A_188 = arith.select %parallel_loop3A_185, %parallel_loop3A_187, %parallel_loop3A_166 : i32
      %parallel_loop3A_189 = arith.constant 32 : i32
      %parallel_loop3A_190 = arith.constant 0 : i32
      %parallel_loop3A_191 = arith.cmpi eq, %parallel_loop3A_189, %parallel_loop3A_190 : i32
      %parallel_loop3A_192 = arith.constant 1 : i32
      %parallel_loop3A_193 = arith.select %parallel_loop3A_191, %parallel_loop3A_192, %parallel_loop3A_189 : i32
      %parallel_loop3A_194 = arith.remsi %parallel_loop3A_164, %parallel_loop3A_193 : i32
      %parallel_loop3A_195 = arith.constant 0 : i32
      %parallel_loop3A_196 = arith.cmpi ne, %parallel_loop3A_194, %parallel_loop3A_195 : i32
      %parallel_loop3A_197 = arith.constant 0 : i32
      %parallel_loop3A_198 = arith.cmpi slt, %parallel_loop3A_194, %parallel_loop3A_197 : i32
      %parallel_loop3A_199 = arith.constant 0 : i32
      %parallel_loop3A_200 = arith.cmpi slt, %parallel_loop3A_193, %parallel_loop3A_199 : i32
      %parallel_loop3A_201 = arith.xori %parallel_loop3A_198, %parallel_loop3A_200 : i1
      %parallel_loop3A_202 = arith.andi %parallel_loop3A_201, %parallel_loop3A_196 : i1
      %parallel_loop3A_203 = arith.addi %parallel_loop3A_194, %parallel_loop3A_193 : i32
      %parallel_loop3A_204 = arith.select %parallel_loop3A_202, %parallel_loop3A_203, %parallel_loop3A_194 : i32
      %parallel_loop3A_205 = arith.constant 4 : i32
      %parallel_loop3A_206 = arith.divsi %parallel_loop3A_204, %parallel_loop3A_205 : i32
      %parallel_loop3A_207 = arith.constant 0 : i32
      %parallel_loop3A_208 = arith.cmpi sgt, %parallel_loop3A_204, %parallel_loop3A_207 : i32
      %parallel_loop3A_209 = arith.extui %parallel_loop3A_208 : i1 to i32
      %parallel_loop3A_210 = arith.constant 0 : i32
      %parallel_loop3A_211 = arith.cmpi slt, %parallel_loop3A_204, %parallel_loop3A_210 : i32
      %parallel_loop3A_212 = arith.extui %parallel_loop3A_211 : i1 to i32
      %parallel_loop3A_213 = arith.subi %parallel_loop3A_209, %parallel_loop3A_212 : i32
      %parallel_loop3A_214 = arith.constant 0 : i32
      %parallel_loop3A_215 = arith.cmpi sgt, %parallel_loop3A_205, %parallel_loop3A_214 : i32
      %parallel_loop3A_216 = arith.extui %parallel_loop3A_215 : i1 to i32
      %parallel_loop3A_217 = arith.constant 0 : i32
      %parallel_loop3A_218 = arith.cmpi slt, %parallel_loop3A_205, %parallel_loop3A_217 : i32
      %parallel_loop3A_219 = arith.extui %parallel_loop3A_218 : i1 to i32
      %parallel_loop3A_220 = arith.subi %parallel_loop3A_216, %parallel_loop3A_219 : i32
      %parallel_loop3A_221 = arith.cmpi ne, %parallel_loop3A_213, %parallel_loop3A_220 : i32
      %parallel_loop3A_222 = arith.remsi %parallel_loop3A_204, %parallel_loop3A_205 : i32
      %parallel_loop3A_223 = arith.constant 0 : i32
      %parallel_loop3A_224 = arith.cmpi ne, %parallel_loop3A_222, %parallel_loop3A_223 : i32
      %parallel_loop3A_225 = arith.andi %parallel_loop3A_221, %parallel_loop3A_224 : i1
      %parallel_loop3A_226 = arith.constant 1 : i32
      %parallel_loop3A_227 = arith.subi %parallel_loop3A_206, %parallel_loop3A_226 : i32
      %parallel_loop3A_228 = arith.select %parallel_loop3A_225, %parallel_loop3A_227, %parallel_loop3A_206 : i32
      %parallel_loop3A_229 = arith.constant 16 : i32
      %parallel_loop3A_230 = arith.muli %parallel_loop3A_228, %parallel_loop3A_229 : i32
      %parallel_loop3A_231 = arith.constant 4 : i32
      %parallel_loop3A_232 = arith.constant 0 : i32
      %parallel_loop3A_233 = arith.cmpi eq, %parallel_loop3A_231, %parallel_loop3A_232 : i32
      %parallel_loop3A_234 = arith.constant 1 : i32
      %parallel_loop3A_235 = arith.select %parallel_loop3A_233, %parallel_loop3A_234, %parallel_loop3A_231 : i32
      %parallel_loop3A_236 = arith.remsi %parallel_loop3A_204, %parallel_loop3A_235 : i32
      %parallel_loop3A_237 = arith.constant 0 : i32
      %parallel_loop3A_238 = arith.cmpi ne, %parallel_loop3A_236, %parallel_loop3A_237 : i32
      %parallel_loop3A_239 = arith.constant 0 : i32
      %parallel_loop3A_240 = arith.cmpi slt, %parallel_loop3A_236, %parallel_loop3A_239 : i32
      %parallel_loop3A_241 = arith.constant 0 : i32
      %parallel_loop3A_242 = arith.cmpi slt, %parallel_loop3A_235, %parallel_loop3A_241 : i32
      %parallel_loop3A_243 = arith.xori %parallel_loop3A_240, %parallel_loop3A_242 : i1
      %parallel_loop3A_244 = arith.andi %parallel_loop3A_243, %parallel_loop3A_238 : i1
      %parallel_loop3A_245 = arith.addi %parallel_loop3A_236, %parallel_loop3A_235 : i32
      %parallel_loop3A_246 = arith.select %parallel_loop3A_244, %parallel_loop3A_245, %parallel_loop3A_236 : i32
      %parallel_loop3A_247 = arith.constant 4 : i32
      %parallel_loop3A_248 = arith.muli %parallel_loop3A_246, %parallel_loop3A_247 : i32
      %parallel_loop3A_249 = arith.constant 16 : i32
      %parallel_loop3A_250 = arith.muli %parallel_loop3A_188, %parallel_loop3A_249 : i32
      %parallel_loop3A_251 = vector.broadcast %parallel_loop3A_250 : i32 to vector<16xi32>
      %parallel_loop3A_252 = arith.addi %iota3A, %parallel_loop3A_251 : vector<16xi32>
      %parallel_loop3A_253 = vector.broadcast %parallel_loop3A_248 : i32 to vector<16xi32>
      %parallel_loop3A_254 = arith.addi %iota3A, %parallel_loop3A_253 : vector<16xi32>
      %parallel_loop3A_255 = arith.constant 0 : i32
      %parallel_loop3A_256 = vector.broadcast %parallel_loop3A_255 : i32 to vector<16xi32>
      %parallel_loop3A_257 = arith.addi %parallel_loop3A_254, %parallel_loop3A_256 : vector<16xi32>
      %parallel_loop3A_258 = arith.constant 15 : i32
      %parallel_loop3A_259 = vector.broadcast %parallel_loop3A_258 : i32 to vector<16xi32>
      %parallel_loop3A_260 = arith.andi %parallel_loop3A_257, %parallel_loop3A_259 : vector<16xi32>
      %parallel_loop3A_261 = vector.broadcast %parallel_loop3A_230 : i32 to vector<16xi32>
      %parallel_loop3A_262 = arith.addi %parallel_loop3A_260, %parallel_loop3A_261 : vector<16xi32>
      %parallel_loop3A_263 = vector.broadcast %parallel_loop3A_248 : i32 to vector<16xi32>
      %parallel_loop3A_264 = arith.addi %iota3A, %parallel_loop3A_263 : vector<16xi32>
      %parallel_loop3A_265 = arith.constant 1 : i32
      %parallel_loop3A_266 = vector.broadcast %parallel_loop3A_265 : i32 to vector<16xi32>
      %parallel_loop3A_267 = arith.addi %parallel_loop3A_264, %parallel_loop3A_266 : vector<16xi32>
      %parallel_loop3A_268 = arith.constant 15 : i32
      %parallel_loop3A_269 = vector.broadcast %parallel_loop3A_268 : i32 to vector<16xi32>
      %parallel_loop3A_270 = arith.andi %parallel_loop3A_267, %parallel_loop3A_269 : vector<16xi32>
      %parallel_loop3A_271 = vector.broadcast %parallel_loop3A_230 : i32 to vector<16xi32>
      %parallel_loop3A_272 = arith.addi %parallel_loop3A_270, %parallel_loop3A_271 : vector<16xi32>
      %parallel_loop3A_273 = vector.broadcast %parallel_loop3A_248 : i32 to vector<16xi32>
      %parallel_loop3A_274 = arith.addi %iota3A, %parallel_loop3A_273 : vector<16xi32>
      %parallel_loop3A_275 = arith.constant 2 : i32
      %parallel_loop3A_276 = vector.broadcast %parallel_loop3A_275 : i32 to vector<16xi32>
      %parallel_loop3A_277 = arith.addi %parallel_loop3A_274, %parallel_loop3A_276 : vector<16xi32>
      %parallel_loop3A_278 = arith.constant 15 : i32
      %parallel_loop3A_279 = vector.broadcast %parallel_loop3A_278 : i32 to vector<16xi32>
      %parallel_loop3A_280 = arith.andi %parallel_loop3A_277, %parallel_loop3A_279 : vector<16xi32>
      %parallel_loop3A_281 = vector.broadcast %parallel_loop3A_230 : i32 to vector<16xi32>
      %parallel_loop3A_282 = arith.addi %parallel_loop3A_280, %parallel_loop3A_281 : vector<16xi32>
      %parallel_loop3A_283 = vector.broadcast %parallel_loop3A_248 : i32 to vector<16xi32>
      %parallel_loop3A_284 = arith.addi %iota3A, %parallel_loop3A_283 : vector<16xi32>
      %parallel_loop3A_285 = arith.constant 3 : i32
      %parallel_loop3A_286 = vector.broadcast %parallel_loop3A_285 : i32 to vector<16xi32>
      %parallel_loop3A_287 = arith.addi %parallel_loop3A_284, %parallel_loop3A_286 : vector<16xi32>
      %parallel_loop3A_288 = arith.constant 15 : i32
      %parallel_loop3A_289 = vector.broadcast %parallel_loop3A_288 : i32 to vector<16xi32>
      %parallel_loop3A_290 = arith.andi %parallel_loop3A_287, %parallel_loop3A_289 : vector<16xi32>
      %parallel_loop3A_291 = vector.broadcast %parallel_loop3A_230 : i32 to vector<16xi32>
      %parallel_loop3A_292 = arith.addi %parallel_loop3A_290, %parallel_loop3A_291 : vector<16xi32>
      %parallel_loop3A_293 = arith.constant 384 : i32
      %parallel_loop3A_294 = vector.broadcast %parallel_loop3A_293 : i32 to vector<16xi32>
      %parallel_loop3A_295 = arith.addi %parallel_loop3A_262, %parallel_loop3A_294 : vector<16xi32>
      %parallel_loop3A_296 = tpu.vector_load_idx %arg6[%parallel_loop3A_295, %parallel_loop3A_252] : memref<512x128xf32, #tpu.memory_space<vmem>>[vector<16xi32>, vector<16xi32>], vector<16xf32>,
      %parallel_loop3A_297 = arith.constant 384 : i32
      %parallel_loop3A_298 = vector.broadcast %parallel_loop3A_297 : i32 to vector<16xi32>
      %parallel_loop3A_299 = arith.addi %parallel_loop3A_272, %parallel_loop3A_298 : vector<16xi32>
      %parallel_loop3A_300 = tpu.vector_load_idx %arg6[%parallel_loop3A_299, %parallel_loop3A_252] : memref<512x128xf32, #tpu.memory_space<vmem>>[vector<16xi32>, vector<16xi32>], vector<16xf32>,
      %parallel_loop3A_301 = arith.constant 384 : i32
      %parallel_loop3A_302 = vector.broadcast %parallel_loop3A_301 : i32 to vector<16xi32>
      %parallel_loop3A_303 = arith.addi %parallel_loop3A_282, %parallel_loop3A_302 : vector<16xi32>
      %parallel_loop3A_304 = tpu.vector_load_idx %arg6[%parallel_loop3A_303, %parallel_loop3A_252] : memref<512x128xf32, #tpu.memory_space<vmem>>[vector<16xi32>, vector<16xi32>], vector<16xf32>,
      %parallel_loop3A_305 = arith.constant 384 : i32
      %parallel_loop3A_306 = vector.broadcast %parallel_loop3A_305 : i32 to vector<16xi32>
      %parallel_loop3A_307 = arith.addi %parallel_loop3A_292, %parallel_loop3A_306 : vector<16xi32>
      %parallel_loop3A_308 = tpu.vector_load_idx %arg6[%parallel_loop3A_307, %parallel_loop3A_252] : memref<512x128xf32, #tpu.memory_space<vmem>>[vector<16xi32>, vector<16xi32>], vector<16xf32>,
      %parallel_loop3A_309 = arith.constant 192 : i32
      %parallel_loop3A_310 = vector.broadcast %parallel_loop3A_309 : i32 to vector<16xi32>
      %parallel_loop3A_311 = arith.addi %parallel_loop3A_252, %parallel_loop3A_310 : vector<16xi32>
      tpu.vector_store_idx %arg7[%parallel_loop3A_311, %parallel_loop3A_262], %parallel_loop3A_296 : memref<256x128xf32, #tpu.memory_space<vmem>>[vector<16xi32>, vector<16xi32>], vector<16xf32>,
      %parallel_loop3A_312 = arith.constant 192 : i32
      %parallel_loop3A_313 = vector.broadcast %parallel_loop3A_312 : i32 to vector<16xi32>
      %parallel_loop3A_314 = arith.addi %parallel_loop3A_252, %parallel_loop3A_313 : vector<16xi32>
      tpu.vector_store_idx %arg7[%parallel_loop3A_314, %parallel_loop3A_272], %parallel_loop3A_300 : memref<256x128xf32, #tpu.memory_space<vmem>>[vector<16xi32>, vector<16xi32>], vector<16xf32>,
      %parallel_loop3A_315 = arith.constant 192 : i32
      %parallel_loop3A_316 = vector.broadcast %parallel_loop3A_315 : i32 to vector<16xi32>
      %parallel_loop3A_317 = arith.addi %parallel_loop3A_252, %parallel_loop3A_316 : vector<16xi32>
      tpu.vector_store_idx %arg7[%parallel_loop3A_317, %parallel_loop3A_282], %parallel_loop3A_304 : memref<256x128xf32, #tpu.memory_space<vmem>>[vector<16xi32>, vector<16xi32>], vector<16xf32>,
      %parallel_loop3A_318 = arith.constant 192 : i32
      %parallel_loop3A_319 = vector.broadcast %parallel_loop3A_318 : i32 to vector<16xi32>
      %parallel_loop3A_320 = arith.addi %parallel_loop3A_252, %parallel_loop3A_319 : vector<16xi32>
      tpu.vector_store_idx %arg7[%parallel_loop3A_320, %parallel_loop3A_292], %parallel_loop3A_308 : memref<256x128xf32, #tpu.memory_space<vmem>>[vector<16xi32>, vector<16xi32>], vector<16xf32>,
    } {sc.loop_unroll_factor = 2 : i64, sc.parallel_access}
    %add3A_112 = arith.constant 384 : i32
    %add3A_113 = arith.addi %mul3A_2, %add3A_112 : i32
    %dma_start3A_114 = arith.constant 192 : i32
    %dma_start3A_115 = arith.constant 0 : i32
    %dma_start3A_116 = tpu.memref_slice %arg7[%dma_start3A_114, %dma_start3A_115] : memref<256x128xf32, #tpu.memory_space<vmem>> -> memref<64x128xf32, #tpu.memory_space<vmem>>
    %dma_start3A_117 = arith.constant 0 : i32
    %dma_start3A_118 = tpu.memref_slice %arg4[%dma_start3A_117, %add3A_113] : memref<64x16384xf32, #tpu.memory_space<hbm>> -> memref<64x128xf32, #tpu.memory_space<hbm>>
    %dma_start3A_119 = arith.constant 0 : i32
    %dma_start3A_120 = tpu.memref_slice %arg4[%dma_start3A_119, %add3A_113] : memref<64x16384xf32, #tpu.memory_space<hbm>> -> memref<64x128xf32, #tpu.memory_space<hbm>>
    %dma_start3A_121 = arith.constant 192 : i32
    %dma_start3A_122 = arith.constant 0 : i32
    %dma_start3A_123 = tpu.memref_slice %arg7[%dma_start3A_121, %dma_start3A_122] : memref<256x128xf32, #tpu.memory_space<vmem>> -> memref<64x128xf32, #tpu.memory_space<vmem>>
    tpu.enqueue_dma source(%dma_start3A_123 : memref<64x128xf32, #tpu.memory_space<vmem>>) target(%dma_start3A_120 : memref<64x128xf32, #tpu.memory_space<hbm>>) target_semaphore(%arg9 : memref<!tpu.dma_semaphore, #tpu.memory_space<semaphore_mem>>)
    %dma_wait3A_124 = arith.constant 0 : i32
    %dma_wait3A_125 = arith.constant 0 : i32
    %dma_wait3A_126 = tpu.memref_slice %arg7[%dma_wait3A_124, %dma_wait3A_125] : memref<256x128xf32, #tpu.memory_space<vmem>> -> memref<64x128xf32, #tpu.memory_space<vmem>>
    %dma_wait3A_127 = arith.constant 0 : i32
    %dma_wait3A_128 = tpu.memref_slice %arg4[%dma_wait3A_127, %add3A_44] : memref<64x16384xf32, #tpu.memory_space<hbm>> -> memref<64x128xf32, #tpu.memory_space<hbm>>
    %dma_wait3A_129 = arith.constant 0 : i32
    %dma_wait3A_130 = tpu.memref_slice %arg4[%dma_wait3A_129, %add3A_44] : memref<64x16384xf32, #tpu.memory_space<hbm>> -> memref<64x128xf32, #tpu.memory_space<hbm>>
    %dma_wait3A_131 = arith.constant 0 : i32
    %dma_wait3A_132 = arith.constant 0 : i32
    %dma_wait3A_133 = tpu.memref_slice %arg7[%dma_wait3A_131, %dma_wait3A_132] : memref<256x128xf32, #tpu.memory_space<vmem>> -> memref<64x128xf32, #tpu.memory_space<vmem>>
    tpu.wait_dma2 semaphore(%arg9 : memref<!tpu.dma_semaphore, #tpu.memory_space<semaphore_mem>>) src(%dma_wait3A_133 : memref<64x128xf32, #tpu.memory_space<vmem>>) dst(%dma_wait3A_130 : memref<64x128xf32, #tpu.memory_space<hbm>>)
    %dma_wait3A_134 = arith.constant 64 : i32
    %dma_wait3A_135 = arith.constant 0 : i32
    %dma_wait3A_136 = tpu.memref_slice %arg7[%dma_wait3A_134, %dma_wait3A_135] : memref<256x128xf32, #tpu.memory_space<vmem>> -> memref<64x128xf32, #tpu.memory_space<vmem>>
    %dma_wait3A_137 = arith.constant 0 : i32
    %dma_wait3A_138 = tpu.memref_slice %arg4[%dma_wait3A_137, %add3A_67] : memref<64x16384xf32, #tpu.memory_space<hbm>> -> memref<64x128xf32, #tpu.memory_space<hbm>>
    %dma_wait3A_139 = arith.constant 0 : i32
    %dma_wait3A_140 = tpu.memref_slice %arg4[%dma_wait3A_139, %add3A_67] : memref<64x16384xf32, #tpu.memory_space<hbm>> -> memref<64x128xf32, #tpu.memory_space<hbm>>
    %dma_wait3A_141 = arith.constant 64 : i32
    %dma_wait3A_142 = arith.constant 0 : i32
    %dma_wait3A_143 = tpu.memref_slice %arg7[%dma_wait3A_141, %dma_wait3A_142] : memref<256x128xf32, #tpu.memory_space<vmem>> -> memref<64x128xf32, #tpu.memory_space<vmem>>
    tpu.wait_dma2 semaphore(%arg9 : memref<!tpu.dma_semaphore, #tpu.memory_space<semaphore_mem>>) src(%dma_wait3A_143 : memref<64x128xf32, #tpu.memory_space<vmem>>) dst(%dma_wait3A_140 : memref<64x128xf32, #tpu.memory_space<hbm>>)
    %dma_wait3A_144 = arith.constant 128 : i32
    %dma_wait3A_145 = arith.constant 0 : i32
    %dma_wait3A_146 = tpu.memref_slice %arg7[%dma_wait3A_144, %dma_wait3A_145] : memref<256x128xf32, #tpu.memory_space<vmem>> -> memref<64x128xf32, #tpu.memory_space<vmem>>
    %dma_wait3A_147 = arith.constant 0 : i32
    %dma_wait3A_148 = tpu.memref_slice %arg4[%dma_wait3A_147, %add3A_90] : memref<64x16384xf32, #tpu.memory_space<hbm>> -> memref<64x128xf32, #tpu.memory_space<hbm>>
    %dma_wait3A_149 = arith.constant 0 : i32
    %dma_wait3A_150 = tpu.memref_slice %arg4[%dma_wait3A_149, %add3A_90] : memref<64x16384xf32, #tpu.memory_space<hbm>> -> memref<64x128xf32, #tpu.memory_space<hbm>>
    %dma_wait3A_151 = arith.constant 128 : i32
    %dma_wait3A_152 = arith.constant 0 : i32
    %dma_wait3A_153 = tpu.memref_slice %arg7[%dma_wait3A_151, %dma_wait3A_152] : memref<256x128xf32, #tpu.memory_space<vmem>> -> memref<64x128xf32, #tpu.memory_space<vmem>>
    tpu.wait_dma2 semaphore(%arg9 : memref<!tpu.dma_semaphore, #tpu.memory_space<semaphore_mem>>) src(%dma_wait3A_153 : memref<64x128xf32, #tpu.memory_space<vmem>>) dst(%dma_wait3A_150 : memref<64x128xf32, #tpu.memory_space<hbm>>)
    %dma_wait3A_154 = arith.constant 192 : i32
    %dma_wait3A_155 = arith.constant 0 : i32
    %dma_wait3A_156 = tpu.memref_slice %arg7[%dma_wait3A_154, %dma_wait3A_155] : memref<256x128xf32, #tpu.memory_space<vmem>> -> memref<64x128xf32, #tpu.memory_space<vmem>>
    %dma_wait3A_157 = arith.constant 0 : i32
    %dma_wait3A_158 = tpu.memref_slice %arg4[%dma_wait3A_157, %add3A_113] : memref<64x16384xf32, #tpu.memory_space<hbm>> -> memref<64x128xf32, #tpu.memory_space<hbm>>
    %dma_wait3A_159 = arith.constant 0 : i32
    %dma_wait3A_160 = tpu.memref_slice %arg4[%dma_wait3A_159, %add3A_113] : memref<64x16384xf32, #tpu.memory_space<hbm>> -> memref<64x128xf32, #tpu.memory_space<hbm>>
    %dma_wait3A_161 = arith.constant 192 : i32
    %dma_wait3A_162 = arith.constant 0 : i32
    %dma_wait3A_163 = tpu.memref_slice %arg7[%dma_wait3A_161, %dma_wait3A_162] : memref<256x128xf32, #tpu.memory_space<vmem>> -> memref<64x128xf32, #tpu.memory_space<vmem>>
    tpu.wait_dma2 semaphore(%arg9 : memref<!tpu.dma_semaphore, #tpu.memory_space<semaphore_mem>>) src(%dma_wait3A_163 : memref<64x128xf32, #tpu.memory_space<vmem>>) dst(%dma_wait3A_160 : memref<64x128xf32, #tpu.memory_space<hbm>>)
    return
  }
}

</mosaic_0001>

<sc_bundles>
// kernel: kernel.3.cloned.1.call-start
scs
__scs_entry_jumppad:
0x0: {  	(pc) =	sbr.rel $0x88, $3  }
0x1: {  	(tag) =	ssettag $0x0;
	lr =	simm.s32 $0x1  }
0x2: {  	[smem:$0x3F9F] =	sst lr;
	_ =	strace $0xD0000000  }
0x3: {  	_ = 	snop  }
0x4: {  	_ = 	snop  }
0x5: {  	_ = 	snop  }
0x6: {  	_ = 	snop  }
0x7: {  	_ = 	snop  }
__scs_overlays_trampoline_lowered:
0x8: {  	[smem:$0x3FAE] =	sst s0  }
0x9: {  	[smem:$0x3FAF] =	sst s1  }
0xa: {  	[smem:$0x3FB0] =	sst s2  }
0xb: {  	[smem:$0x3FB1] =	sst s3  }
0xc: {  	[smem:$0x3FB2] =	sst s4  }
0xd: {  	[smem:$0x3FB3] =	sst s5  }
0xe: {  	[smem:$0x3FB4] =	sst s6  }
0xf: {  	[smem:$0x3FB5] =	sst s7  }
0x10: {  	[smem:$0x3FB6] =	sst s8  }
0x11: {  	[smem:$0x3FB7] =	sst s9;
	s0 =	simm.s32 @!p0 $0x0  }
0x12: {  	s1 =	sld [smem:$0x3F9D];
	s0 =	simm.s32 @p0 $0x1  }
0x13: {  	[smem:$0x3FB8] =	sst s0;
	s0 =	simm.s32 @!p1 $0x0  }
0x14: {  	s2 =	sld [smem:$0x3F9C];
	s0 =	simm.s32 @p1 $0x1  }
0x15: {  	[smem:$0x3FB9] =	sst s0;
	s0 =	simm.s32 @!p2 $0x0  }
0x16: {  	s3 =	sld [smem:$0x3FDB];
	s0 =	simm.s32 @p2 $0x1  }
0x17: {  	s4 =	simm.s32 $0x1BF5;
	[smem:$0x3FBB] =	sst s0  }
0x18: {  	s0 =	sld [smem:$0x3F9E];
	_ =	swait.ge [sflag:s4], $0x0  }
0x19: {  	s7 =	sld [smem:$0x3F9F]  }
0x1a: {  	s8 =	sadd.s32 $0xFFFFE003, lr  }
0x1b: {  	s9 =	sadd.s32 $0xFFFFFEF7, lr;
	s5 =	simm.s32 $0xFFFFFFFF;
	p2 =	slt.u32 s8, $0xFFFFF086  }
0x1c: {  	p1 =	slt.u32 s9, $0xF7A;
	s5 =	simm.s32 @!p2 $0x0  }
0x1d: {  	s5 =	simm.s32 @p1 $0x1;
	p0 =	seq.s32 s7, s2  }
0x1e: {  	s7 =	smul.u32 @!p0 $0xF7A, s2;
	p2 =	seq.s32 @!p0 s5, $0x0  }
0x1f: {  	s9 =	smul.u32 $0xF7A, s1;
	s8 =	simm.s32 @!p0 $0x1BF5;
	p2 =	por !p2, p0  }
0x20: {  	[sflag:s8] =	ssyncset.s32 @!p0 $0xFFFFF086;
	s6 =	sadd.s32 @!p0 s3, s7;
	s7 =	simm.s32 @!p0 $0x108  }
0x21: {  	s3 =	sadd.s32 s3, s9;
	s6 =	sadd.s32 @!p0 $0x88, s6;
	s7 =	simm.s32 @p2 $0x1082  }
0x22: {  	[simem:s7], [sflag:s8] =	dma.local @!p0 [hbm:s6], $0xF7A  }
0x23: {  	s9 =	sor.u32 $0xD0000000, s2;
	s6 =	simm.s32 $0x108;
	_ =	swait.ge @!p0 [sflag:s8], $0x0  }
0x24: {  	s3 =	sadd.s32 $0x88, s3;
	s6 =	simm.s32 @!p1 $0x1082;
	[sflag:s4] =	ssyncset.s32 $0xFFFFF086  }
0x25: {  	[simem:s6], [sflag:s4] =	dma.local [hbm:s3], $0xF7A  }
0x26: {  	[smem:$0x3F9F] =	sst s1;
	(tag) =	ssettag s2;
	_ =	strace s9  }
0x27: {  	s1 =	sld [smem:$0x3FAF]  }
0x28: {  	s2 =	sld [smem:$0x3FB0]  }
0x29: {  	s4 =	sld [smem:$0x3FB2]  }
0x2a: {  	p0 =	seq.s32 s5, $0x0;
	s5 =	sld [smem:$0x3FB3]  }
0x2b: {  	s6 =	sld [smem:$0x3FB4]  }
0x2c: {  	s7 =	sld [smem:$0x3FB5]  }
0x2d: {  	s3 =	simm.s32 $0x108;
	s8 =	sld [smem:$0x3FB6]  }
0x2e: {  	s3 =	simm.s32 @!p0 $0x1082;
	s9 =	sld [smem:$0x3FB7]  }
0x2f: {  	lr =	sadd.s32 s0, s3;
	s0 =	sld [smem:$0x3FAE]  }
0x30: {  	s3 =	sld [smem:$0x3FB1]  }
0x31: {  	[smem:$0x3FBA] =	sst s10  }
0x32: {  	s10 =	sld [smem:$0x3FB8];
	_ =	sdelay $0x3  }
0x33: {  	p0 =	seq.s32 s10, $0x1;
	s10 =	sld [smem:$0x3FBA];
	_ =	sdelay $0x3  }
0x34: {  	[smem:$0x3FBA] =	sst s10  }
0x35: {  	s10 =	sld [smem:$0x3FB9];
	_ =	sdelay $0x3  }
0x36: {  	p1 =	seq.s32 s10, $0x1;
	s10 =	sld [smem:$0x3FBA];
	_ =	sdelay $0x3  }
0x37: {  	[smem:$0x3FBA] =	sst s10  }
0x38: {  	s10 =	sld [smem:$0x3FBB]  }
0x39: {  	_ = 	snop;
	(pc) =	sbr.ind lr, $3  }
0x3a: {  	_ = 	snop  }
0x3b: {  	_ = 	snop  }
0x3c: {  	p2 =	seq.s32 s10, $0x1;
	s10 =	sld [smem:$0x3FBA]  }
0x3d: {  	_ =	shalt  }
0x3e: {  	_ =	shalt  }
0x3f: {  	_ =	shalt  }
0x40: {  	_ =	shalt  }
0x41: {  	_ =	shalt  }
0x42: {  	_ =	shalt  }
0x43: {  	_ =	shalt  }
0x44: {  	_ =	shalt  }
0x45: {  	_ =	shalt  }
0x46: {  	_ =	shalt  }
0x47: {  	_ =	shalt  }
0x48: {  	_ =	shalt  }
0x49: {  	_ =	shalt  }
0x4a: {  	_ =	shalt  }
0x4b: {  	_ =	shalt  }
0x4c: {  	_ =	shalt  }
0x4d: {  	_ =	shalt  }
0x4e: {  	_ =	shalt  }
0x4f: {  	_ =	shalt  }
0x50: {  	_ =	shalt  }
0x51: {  	_ =	shalt  }
0x52: {  	_ =	shalt  }
0x53: {  	_ =	shalt  }
0x54: {  	_ =	shalt  }
0x55: {  	_ =	shalt  }
0x56: {  	_ =	shalt  }
0x57: {  	_ =	shalt  }
0x58: {  	_ =	shalt  }
0x59: {  	_ =	shalt  }
0x5a: {  	_ =	shalt  }
0x5b: {  	_ =	shalt  }
0x5c: {  	_ =	shalt  }
0x5d: {  	_ =	shalt  }
0x5e: {  	_ =	shalt  }
0x5f: {  	_ =	shalt  }
0x60: {  	_ =	shalt  }
0x61: {  	_ =	shalt  }
0x62: {  	_ =	shalt  }
0x63: {  	_ =	shalt  }
0x64: {  	_ =	shalt  }
0x65: {  	_ =	shalt  }
0x66: {  	_ =	shalt  }
0x67: {  	_ =	shalt  }
0x68: {  	_ =	shalt  }
0x69: {  	_ =	shalt  }
0x6a: {  	_ =	shalt  }
0x6b: {  	_ =	shalt  }
0x6c: {  	_ =	shalt  }
0x6d: {  	_ =	shalt  }
0x6e: {  	_ =	shalt  }
0x6f: {  	_ =	shalt  }
0x70: {  	_ =	shalt  }
0x71: {  	_ =	shalt  }
0x72: {  	_ =	shalt  }
0x73: {  	_ =	shalt  }
0x74: {  	_ =	shalt  }
0x75: {  	_ =	shalt  }
0x76: {  	_ =	shalt  }
0x77: {  	_ =	shalt  }
0x78: {  	_ =	shalt  }
0x79: {  	_ =	shalt  }
0x7a: {  	_ =	shalt  }
0x7b: {  	_ =	shalt  }
0x7c: {  	_ =	shalt  }
0x7d: {  	_ =	shalt  }
0x7e: {  	_ =	shalt  }
0x7f: {  	_ =	shalt  }
0x80: {  	_ =	shalt  }
0x81: {  	_ =	shalt  }
0x82: {  	_ =	shalt  }
0x83: {  	_ =	shalt  }
0x84: {  	_ =	shalt  }
0x85: {  	_ =	shalt  }
0x86: {  	_ =	shalt  }
0x87: {  	_ =	shalt  }
.Lfunc_end0:
.L_simem_size_0:
called_computation_lowered:
.L_overlay_start_0:
0x88: {  	s2 =	sld [smem:$0x3FD9]  }
0x89: {  	s3 =	sld [smem:$0x3FFE];
	_ =	sdelay $0x1  }
0x8a: {  	s1 =	srdreg.scid  }
0x8b: {  	s0 =	sand.u32 $0x1, s1  }
0x8c: {  	s17 =	sshll.u32 s0, $0xA;
	s2 =	sadd.s32 s3, s2  }
0x8d: {  	s2 =	sadd.s32 s2, s17  }
0x8e: {  	[smem:$0x3FC6] =	sst s2  }
0x8f: {  	_ = 	snop  }
0x90: {  	s2 =	sld [smem:$0x3FC9]  }
0x91: {  	s18 =	sld [smem:$0x3FD0];
	(tm) =	ssettm $0x1  }
0x92: {  	s4 =	sld [smem:$0x3FFB];
	_ =	sdelay $0x3  }
0x93: {  	_ =	strace s4  }
0x94: {  	s4 =	sld [smem:$0x3FFC];
	_ =	sdelay $0x3  }
0x95: {  	_ =	strace s4  }
0x96: {  	s4 =	sld [smem:$0x3FFD];
	_ =	sdelay $0x3  }
0x97: {  	_ =	strace s4  }
0x98: {  	_ =	strace $0x8FFFFFFF  }
0x99: {  	s19 =	sld [smem:$0x3FDB];
	_ =	sdelay $0x1  }
0x9a: {  	s5 =	simm.s32 $_scs_section_size  }
0x9b: {  	s6 =	simm.s32 $_size__tile_overlayer_lowered;
	s7 =	simm.s32 $_tile_overlayer_lowered  }
0x9c: {  	s22 =	simm.s32 $0x1BFF;
	s21 =	sshll.u32 s7, $0x1;
	s4 =	sadd.s32 s5, s19  }
0x9d: {  	s8 =	simm.s32 $0x0;
	s20 =	sshll.u32 s6, $0x1;
	s6 =	sadd.s32 s21, s4  }
0x9e: {  	[timem:s8], [sflag:s22] =	dma.local [hbm:s6], s20  }
0x9f: {  	_ =	swait.ge [sflag:s22], s20  }
0xa0: {  	s5 =	ssub.s32 $0x0, s20;
	[sflag:s22] =	ssyncset.done $0x0  }
0xa1: {  	[sflag:s22] =	ssyncadd.s32 s5;
	_ =	sdelay $0x1  }
0xa2: {  	s23 =	simm.s32 $0x1B8B  }
0xa3: {  	_ =	swait.ge [sflag:s23], $0x1  }
0xa4: {  	[sflag:s23] =	ssyncset.done $0x0  }
0xa5: {  	s25 =	simm.s32 $0x1B8E;
	s24 =	sld [smem:$0x3FFE];
	[sflag:s23] =	ssyncadd.s32 $0xFFFFFFFF  }
0xa6: {  	s26 =	simm.s32 $execute0_lowered;
	[smem:$0x3FD2] =	sst s25  }
0xa7: {  	s6 =	sshll.u32 s26, $0x1;
	_ =	strace $0x80000046;
	[dreg:$0x1] =	wrdreg $0xFFFFFFFF  }
0xa8: {  	s28 =	simm.s32 $_size_execute0_lowered;
	s4 =	sadd.s32 s4, s6;
	[dreg:$0x0] =	wrdreg $0x0  }
0xa9: {  	s6 =	sshll.u32 s28, $0x1;
	[dreg:$0x2] =	wrdreg s4  }
0xaa: {  	[dreg:$0x3] =	wrdreg s6  }
0xab: {  	[dreg:$0x4] =	wrdreg $0xC0  }
0xac: {  	_ =	task [dreg:s8], $0x5FFFF  }
0xad: {  	[dreg:$0x1] =	wrdreg $0xFFFFFFFF  }
0xae: {  	[dreg:$0x0] =	wrdreg $0x60  }
0xaf: {  	[dreg:$0x2] =	wrdreg s24  }
0xb0: {  	[dreg:$0x3] =	wrdreg s2  }
0xb1: {  	[dreg:$0x4] =	wrdreg s18  }
0xb2: {  	[dreg:$0x5] =	wrdreg $0x9  }
0xb3: {  	_ =	task.clear_ibuf [dreg:s8], $0x6FFFF;
	_ =	strace $0x90000046  }
0xb4: {  	s29 =	simm.s32 $0x9;
	_ =	strace $0x80000048  }
0xb5: {  	_ =	swait.ge [sflag:s29], $0x1  }
0xb6: {  	[sflag:s29] =	ssyncadd.s32 $0xFFFFFFFF  }
0xb7: {  	_ =	strace $0x90000048  }
0xb8: {  	_ =	sfence  }
0xb9: {  	s30 =	sld [smem:$0x0];
	_ =	sdelay $0x2  }
0xba: {  	s31 =	sshll.u32 s1, $0xD;
	s1 =	sshrl.u32 s1, $0x2  }
0xbb: {  	s3 =	sand.u32 $0x4000, s31;
	s1 =	sadd.s32 s1, s30  }
0xbc: {  	s0 =	sor.u32 s3, s0;
	s1 =	sshll.u32 s1, $0x11  }
0xbd: {  	s0 =	sor.u32 s1, s0  }
0xbe: {  	s0 =	sadd.s32 $0x8F2B, s0  }
0xbf: {  	[sflag:s0] =	ssyncadd.remote.s32 $0x1  }
0xc0: {  	_ =	sfence.sel $0xFFFF  }
0xc1: {  	[dreg:$0x0] =	wrdreg $0xFFFFFFFF;
	(pc) =	sbr.abs _section_cstart, $3  }
0xc2: {  	[dreg:$0x1] =	wrdreg $0xFFFFFFFF  }
0xc3: {  	_ =	task.clear_ibuf [dreg:s8], $0x2FFFF;
	_ =	strace $0x9FFFFFFF  }
0xc4: {  	(tm) =	ssettm $0x7FFFFFFF  }
0xc5: {  	_ =	shalt  }
tec
execute0_lowered:
.L_overlay_start_1:
0x0: {  	(tag) =	ssettag $0x1  }
0x1: {  	s0 =	rddreg [dreg:$0x0]  }
0x2: {  	s1 =	rddreg [dreg:$0x1]  }
0x3: {  	s5 =	rddreg [dreg:$0x2]  }
0x4: {  	s3 =	srdreg.scid;
	s2 =	simm.s32 $0x0;
	s4 =	stileid.u32  }
0x5: {  	s10 =	simm.s32 $0x3;
	s11 =	simm.s32 $0x80;
	s12 =	simm.s32 $0x200  }
0x6: {  	s14 =	simm.s32 $0x100;
	s15 =	simm.s32 $0x8200;
	s16 =	simm.s32 $0x180  }
0x7: {  	s17 =	simm.s32 $0xC200;
	s18 =	simm.s32 $0x1;
	s19 =	simm.s32 $0x10200  }
0x8: {  	s20 =	simm.s32 $0x400;
	s21 =	simm.s32 $0x20000;
	s22 =	simm.s32 $0x12200  }
0x9: {  	s23 =	simm.s32 $0x14200;
	s24 =	simm.s32 $0x16200;
	s25 =	simm.s32 $0x2  }
0xa: {  	s26 =	simm.s32 $0x0;
	s3 =	sand.u32 $0x1, s3;
	[smem:$0x7FF] =	sst s2  }
0xb: {  	s4 =	sshll.u32 s4, $0xA;
	s6 =	sshll.u32 s3, $0x9;
	_ =	strace $0x80000047  }
0xc: {  	v0 =	vlaneseq.u32;
	s7 =	ssub.s32 $0x2, s3;
	s3 =	sadd.s32 $0x400, s0;
	s6 =	sor.u32 s6, s4  }
0xd: {  	v6 =	vmul.u32 $0x80, v0;
	s31 =	sshrl.u32 s7, $0x1;
	s4 =	sshrl.u32 s6, $0x3;
	s5 =	sadd.s32 s5, s6  }
0xe: {  	v1 =	vadd.s32 $0x1, v0;
	v2 =	vadd.s32 $0x2, v0;
	v3 =	vadd.s32 $0x3, v0;
	s0 =	ssub.s32 s7, s31;
	s4 =	sadd.s32 s1, s4;
	s6 =	sadd.s32 $0x80, s5  }
0xf: {  	v4 =	vor.u32 $0x2000, v6;
	v5 =	vor.u32 $0x4000, v6;
	v6 =	vor.u32 $0x6000, v6;
	s7 =	sadd.s32 $0x100, s5;
	s8 =	sadd.s32 $0x180, s5;
	s9 =	smax.u32 s0, $0x1  }
.LBB2_1:
0x10: {  	[tilespmem:s2], [sflag:$0x3] =	stream.linear.gather [hbm4b:s4+s2], $0x200, $0x38;
	[tilespmem:$0x18200] =	vst v63  }
0x11: {  	_ =	swait.ge [sflag:s10], $0x200  }
0x12: {  	s0 =	sand.u32 $0x8, s2;
	s1 =	sand.u32 $0x30, s2;
	[sflag:s10] =	ssyncset.done $0x0  }
0x13: {  	v7 =	vadd.s32 s0, v0;
	v8 =	vadd.s32 s0, v1;
	s28 =	sor.u32 $0x4, s0;
	v11 =	vor.u32 s1, v0;
	[sflag:s10] =	ssyncadd.s32 $0xFFFFFE00  }
0x14: {  	v9 =	vadd.s32 s0, v2;
	v18 =	vadd.s32 s0, v3;
	v10 =	vadd.s32 s28, v0;
	[tilespmem:s12], [sflag:$0x1] =	stream.indirect.gather [hbm4b:s3+s11], $0x80, s2, s11, $0xb8;
	[tilespmem:$0x18200] =	vst v63  }
0x15: {  	s31 =	sand.u32 $0x70, s2;
	s13 =	simm.s32 $0x4200;
	v12 =	vadd.s32 s28, v1;
	v13 =	vadd.s32 s28, v2;
	v14 =	vadd.s32 s28, v3  }
0x16: {  	v7 =	vand.u32 $0xF, v7;
	v8 =	vand.u32 $0xF, v8;
	v10 =	vand.u32 $0xF, v10;
	[tilespmem:s13], [sflag:$0x1] =	stream.indirect.gather [hbm4b:s3+s11], $0x80, s11, s11, $0xb8;
	[tilespmem:$0x18200] =	vst v63  }
0x17: {  	v12 =	vand.u32 $0xF, v12;
	v13 =	vand.u32 $0xF, v13;
	v10 =	vor.u32 s31, v10  }
0x18: {  	v14 =	vand.u32 $0xF, v14;
	v12 =	vor.u32 s31, v12;
	v15 =	vshll.u32 v10, $0x7;
	[tilespmem:s15], [sflag:$0x1] =	stream.indirect.gather [hbm4b:s3+s11], $0x80, s14, s11, $0xb8;
	[tilespmem:$0x18200] =	vst v63  }
0x19: {  	v13 =	vor.u32 s31, v13;
	v16 =	vshll.u32 v12, $0x7;
	v15 =	vor.u32 v11, v15  }
0x1a: {  	v14 =	vor.u32 s31, v14;
	v17 =	vshll.u32 v13, $0x7;
	v16 =	vor.u32 v11, v16;
	[tilespmem:s17], [sflag:$0x1] =	stream.indirect.gather [hbm4b:s3+s11], $0x80, s16, s11, $0xb8;
	[tilespmem:$0x18200] =	vst v63  }
0x1b: {  	v9 =	vand.u32 $0xF, v9;
	v20 =	vor.u32 v11, v17;
	v17 =	vshll.u32 v14, $0x7;
	_ =	swait.ge [sflag:s18], $0x4000  }
0x1c: {  	v22 =	vshll.u32 v11, $0x7;
	v7 =	vor.u32 s31, v7;
	v24 =	vor.u32 v11, v17;
	[sflag:s18] =	ssyncset.done $0x0  }
0x1d: {  	v25 =	vor.u32 s31, v8;
	v8 =	vor.u32 s31, v9;
	v17 =	vand.u32 $0xF, v18;
	[sflag:s18] =	ssyncadd.s32 $0xFFFFC000  }
0x1e: {  	v9 =	vshll.u32 v7, $0x7;
	v19 =	vor.u32 v22, v10;
	v23 =	vor.u32 s31, v17;
	v17 =	vld.idx.msk [tilespmem:v15+s12+$0x0], $0xffff  }
0x1f: {  	v26 =	vshll.u32 v8, $0x7;
	v10 =	vshll.u32 v25, $0x7;
	v18 =	vor.u32 v22, v12;
	v15 =	vld.idx.msk [tilespmem:v16+s12+$0x0], $0xffff  }
0x20: {  	v21 =	vor.u32 v11, v9;
	v14 =	vor.u32 v22, v14;
	v16 =	vor.u32 v22, v13;
	v12 =	vld.idx.msk [tilespmem:v20+s12+$0x0], $0xffff  }
0x21: {  	v9 =	vshll.u32 v23, $0x7;
	v20 =	vor.u32 v11, v10;
	v13 =	vor.u32 v11, v26;
	v10 =	vld.idx.msk [tilespmem:v24+s12+$0x0], $0xffff  }
0x22: {  	s29 =	simm.s32 $0x8;
	s30 =	simm.s32 $0x0;
	s28 =	simm.s32 $0x0;
	v11 =	vor.u32 v11, v9;
	v9 =	vor.u32 v22, v7;
	v7 =	vor.u32 v22, v25  }
.LBB2_2:
0x23: {  	s0 =	sand.u32 $0x8, s29;
	v8 =	vor.u32 v22, v8;
	v23 =	vor.u32 v22, v23;
	[tilespmem:v19+s19+$0x0] =	vst.idx.msk $0xffff, v17;
	s30 =	sadd.s32 $0x1, s30  }
0x24: {  	s1 =	sand.u32 $0x30, s30;
	v17 =	vadd.s32 s0, v0;
	v19 =	vadd.s32 s0, v1;
	v22 =	vadd.s32 s0, v2;
	s31 =	sor.u32 $0x4, s0;
	[tilespmem:v18+s19+$0x0] =	vst.idx.msk $0xffff, v15  }
0x25: {  	v24 =	vor.u32 s1, v0;
	v15 =	vadd.s32 s31, v0;
	v18 =	vadd.s32 s31, v1;
	v21 =	vld.idx.msk [tilespmem:v21+s12+$0x0], $0xffff;
	[tilespmem:v16+s19+$0x0] =	vst.idx.msk $0xffff, v12  }
0x26: {  	s28 =	sadd.s32 $0x2, s28;
	s1 =	sand.u32 $0x70, s29;
	v16 =	vadd.s32 s31, v3;
	v12 =	vand.u32 $0xF, v15;
	v15 =	vadd.s32 s31, v2;
	v20 =	vld.idx.msk [tilespmem:v20+s12+$0x0], $0xffff;
	[tilespmem:v14+s19+$0x0] =	vst.idx.msk $0xffff, v10  }
0x27: {  	p0 =	slt.u32 s28, $0x7E;
	v10 =	vor.u32 s1, v12;
	v12 =	vand.u32 $0xF, v18;
	v14 =	vand.u32 $0xF, v15;
	v13 =	vld.idx.msk [tilespmem:v13+s12+$0x0], $0xffff  }
0x28: {  	v18 =	vor.u32 s1, v12;
	v12 =	vand.u32 $0xF, v16;
	v15 =	vshll.u32 v10, $0x7;
	v11 =	vld.idx.msk [tilespmem:v11+s12+$0x0], $0xffff  }
0x29: {  	v14 =	vor.u32 s1, v14;
	v15 =	vor.u32 v24, v15;
	v16 =	vshll.u32 v18, $0x7  }
0x2a: {  	v25 =	vor.u32 s1, v12;
	v12 =	vor.u32 v24, v16;
	v16 =	vshll.u32 v14, $0x7  }
0x2b: {  	v26 =	vadd.s32 s0, v3;
	v27 =	vshll.u32 v25, $0x7;
	v16 =	vor.u32 v24, v16;
	[tilespmem:v9+s19+$0x0] =	vst.idx.msk $0xffff, v21  }
0x2c: {  	v9 =	vand.u32 $0xF, v17;
	v17 =	vand.u32 $0xF, v19;
	v27 =	vor.u32 v24, v27;
	[tilespmem:v7+s19+$0x0] =	vst.idx.msk $0xffff, v20  }
0x2d: {  	v19 =	vand.u32 $0xF, v26;
	v7 =	vor.u32 s1, v9;
	v9 =	vand.u32 $0xF, v22;
	[tilespmem:v8+s19+$0x0] =	vst.idx.msk $0xffff, v13  }
0x2e: {  	v26 =	vor.u32 s1, v17;
	v22 =	vshll.u32 v24, $0x7;
	v8 =	vor.u32 s1, v9;
	v17 =	vld.idx.msk [tilespmem:v15+s12+$0x0], $0xffff;
	[tilespmem:v23+s19+$0x0] =	vst.idx.msk $0xffff, v11  }
.Ltmp0:
0x2f: {  	v9 =	vshll.u32 v7, $0x7;
	v23 =	vor.u32 s1, v19;
	v19 =	vor.u32 v22, v10;
	v15 =	vld.idx.msk [tilespmem:v12+s12+$0x0], $0xffff;
	(pc) =	sbr.rel @p0 .LBB2_2-.Ltmp0, $4  }
0x30: {  	v18 =	vor.u32 v22, v18;
	v11 =	vshll.u32 v26, $0x7;
	v13 =	vshll.u32 v8, $0x7;
	v12 =	vld.idx.msk [tilespmem:v16+s12+$0x0], $0xffff  }
0x31: {  	v21 =	vor.u32 v24, v9;
	v9 =	vshll.u32 v23, $0x7;
	v16 =	vor.u32 v22, v14;
	v10 =	vld.idx.msk [tilespmem:v27+s12+$0x0], $0xffff  }
0x32: {  	v20 =	vor.u32 v24, v11;
	v13 =	vor.u32 v24, v13;
	v14 =	vor.u32 v22, v25  }
0x33: {  	s29 =	sadd.s32 $0x8, s29;
	v11 =	vor.u32 v24, v9;
	v9 =	vor.u32 v22, v7;
	v7 =	vor.u32 v22, v26  }
0x34: {  	_ = 	snop  }
0x35: {  	s28 =	simm.s32 $0x0  }
0x36: {  	v24 =	vor.u32 v22, v8;
	v22 =	vor.u32 v22, v23;
	s0 =	sand.u32 $0x8, s28  }
0x37: {  	s30 =	sand.u32 $0x30, s28;
	v8 =	vadd.s32 s0, v0;
	v23 =	vadd.s32 s0, v1;
	v25 =	vadd.s32 s0, v2  }
0x38: {  	[tilespmem:v19+s19+$0x0] =	vst.idx.msk $0xffff, v17;
	s1 =	sor.u32 $0x4, s0;
	v28 =	vor.u32 s30, v0;
	v19 =	vmov s30;
	v8 =	vand.u32 $0xF, v8  }
0x39: {  	s29 =	sand.u32 $0x70, s28;
	[tilespmem:v18+s19+$0x0] =	vst.idx.msk $0xffff, v15;
	v23 =	vand.u32 $0xF, v23;
	v26 =	vadd.s32 s1, v0;
	v59 =	vadd.s32 s1, v1  }
0x3a: {  	v21 =	vld.idx.msk [tilespmem:v21+s12+$0x0], $0xffff;
	[tilespmem:v16+s19+$0x0] =	vst.idx.msk $0xffff, v12;
	v29 =	vadd.s32 s1, v2;
	v16 =	vshll.u32 v19, $0x7;
	v27 =	vor.u32 s29, v8  }
0x3b: {  	v17 =	vld.idx.msk [tilespmem:v20+s12+$0x0], $0xffff;
	v8 =	vand.u32 $0xF, v25;
	v57 =	vand.u32 $0xF, v26;
	v20 =	vand.u32 $0xF, v29  }
0x3c: {  	v15 =	vld.idx.msk [tilespmem:v13+s12+$0x0], $0xffff;
	v13 =	vand.u32 $0xF, v59;
	v63 =	vor.u32 s29, v23;
	v18 =	vor.u32 v4, v16  }
0x3d: {  	v58 =	vor.u32 s29, v8;
	v8 =	vor.u32 s29, v57;
	v61 =	vshll.u32 v27, $0x7  }
0x3e: {  	v11 =	vld.idx.msk [tilespmem:v11+s12+$0x0], $0xffff;
	[tilespmem:v14+s19+$0x0] =	vst.idx.msk $0xffff, v10;
	v12 =	vor.u32 s29, v13;
	v13 =	vor.u32 s29, v20;
	v10 =	vshll.u32 v63, $0x7  }
0x3f: {  	[tilespmem:v9+s19+$0x0] =	vst.idx.msk $0xffff, v21;
	v30 =	vshll.u32 v8, $0x7;
	v14 =	vshll.u32 v58, $0x7;
	v9 =	vor.u32 v28, v10  }
0x40: {  	v60 =	vor.u32 v28, v30;
	v10 =	vor.u32 v28, v14;
	v14 =	vshll.u32 v13, $0x7  }
0x41: {  	[tilespmem:v7+s19+$0x0] =	vst.idx.msk $0xffff, v17;
	v17 =	vor.u32 $0x4000, v9;
	v9 =	vadd.s32 s0, v3;
	v7 =	vor.u32 v28, v14  }
0x42: {  	[tilespmem:v24+s19+$0x0] =	vst.idx.msk $0xffff, v15;
	v62 =	vor.u32 $0x4000, v60;
	v14 =	vshll.u32 v12, $0x7;
	v16 =	vor.u32 $0x4000, v7  }
0x43: {  	[tilespmem:v22+s19+$0x0] =	vst.idx.msk $0xffff, v11;
	v7 =	vand.u32 $0xF, v9;
	v9 =	vadd.s32 s1, v3;
	v11 =	vor.u32 v28, v14  }
0x44: {  	[hbm4b:s5+s20] =	stream.strided.scatter [tilespmem:s19], [sflag:$0x2], $0x2000, s21, s20, $0x38;
	v7 =	vor.u32 s29, v7;
	v9 =	vand.u32 $0xF, v9;
	v21 =	vor.u32 $0x4000, v11;
	[tilespmem:$0x18200] =	vst v63  }
0x45: {  	v20 =	vor.u32 $0x4000, v10;
	_ =	swait.ge [sflag:s18], $0x4000;
	v11 =	vshll.u32 v7, $0x7;
	v9 =	vor.u32 s29, v9  }
0x46: {  	v14 =	vor.u32 v28, v61;
	[sflag:s18] =	ssyncset.done $0x0;
	v11 =	vor.u32 v28, v11;
	v19 =	vshll.u32 v9, $0x7  }
0x47: {  	v22 =	vor.u32 $0x4000, v14;
	[sflag:s18] =	ssyncadd.s32 $0xFFFFC000;
	v15 =	vor.u32 $0x4000, v11;
	v11 =	vor.u32 v28, v19  }
0x48: {  	v10 =	vor.u32 v18, v58;
	v14 =	vor.u32 v18, v27;
	v19 =	vld.idx.msk [tilespmem:v62+s12+$0x0], $0xffff;
	v23 =	vor.u32 $0x4000, v11  }
0x49: {  	s30 =	simm.s32 $0x8;
	v7 =	vor.u32 v18, v7;
	s29 =	simm.s32 $0x0;
	v9 =	vor.u32 v18, v9;
	v11 =	vor.u32 v18, v63;
	v21 =	vld.idx.msk [tilespmem:v21+s12+$0x0], $0xffff  }
.LBB2_4:
0x4a: {  	s0 =	sand.u32 $0x8, s30;
	s29 =	sadd.s32 $0x2, s29;
	v17 =	vld.idx.msk [tilespmem:v17+s12+$0x0], $0xffff;
	v24 =	vor.u32 v18, v8;
	v12 =	vor.u32 v18, v12;
	v13 =	vor.u32 v18, v13  }
0x4b: {  	v8 =	vadd.s32 s0, v0;
	v18 =	vadd.s32 s0, v1;
	v25 =	vadd.s32 s0, v2;
	s1 =	sor.u32 $0x4, s0;
	p0 =	slt.u32 s29, $0x7E;
	v16 =	vld.idx.msk [tilespmem:v16+s12+$0x0], $0xffff  }
0x4c: {  	s31 =	sand.u32 $0x70, s30;
	v8 =	vand.u32 $0xF, v8;
	v18 =	vand.u32 $0xF, v18;
	v26 =	vadd.s32 s1, v0;
	v22 =	vld.idx.msk [tilespmem:v22+s12+$0x0], $0xffff  }
0x4d: {  	s28 =	sadd.s32 $0x1, s28;
	v27 =	vor.u32 s31, v8;
	v8 =	vand.u32 $0xF, v25;
	v25 =	vand.u32 $0xF, v26;
	v23 =	vld.idx.msk [tilespmem:v23+s12+$0x0], $0xffff  }
0x4e: {  	s13 =	sand.u32 $0x30, s28;
	v26 =	vor.u32 s31, v8;
	v8 =	vor.u32 s31, v25;
	v25 =	vadd.s32 s1, v1;
	v20 =	vld.idx.msk [tilespmem:v20+s12+$0x0], $0xffff  }
0x4f: {  	v28 =	vor.u32 s13, v0;
	v29 =	vadd.s32 s1, v2;
	v30 =	vshll.u32 v8, $0x7;
	v15 =	vld.idx.msk [tilespmem:v15+s12+$0x0], $0xffff;
	[tilespmem:v24+s19+$0x0] =	vst.idx.msk $0xffff, v19  }
0x50: {  	v19 =	vmov s13;
	v24 =	vand.u32 $0xF, v29;
	v29 =	vor.u32 v28, v30;
	[tilespmem:v12+s19+$0x0] =	vst.idx.msk $0xffff, v21  }
0x51: {  	v21 =	vshll.u32 v27, $0x7;
	v12 =	vand.u32 $0xF, v25;
	v25 =	vor.u32 $0x4000, v29;
	[tilespmem:v13+s19+$0x0] =	vst.idx.msk $0xffff, v16  }
0x52: {  	v29 =	vor.u32 s31, v18;
	v12 =	vor.u32 s31, v12;
	v13 =	vor.u32 s31, v24;
	[tilespmem:v14+s19+$0x0] =	vst.idx.msk $0xffff, v22  }
0x53: {  	v16 =	vshll.u32 v26, $0x7;
	v18 =	vshll.u32 v19, $0x7;
	v14 =	vshll.u32 v29, $0x7;
	[tilespmem:v11+s19+$0x0] =	vst.idx.msk $0xffff, v17  }
0x54: {  	v11 =	vor.u32 v28, v14;
	v14 =	vor.u32 v28, v16;
	v16 =	vshll.u32 v13, $0x7;
	[tilespmem:v10+s19+$0x0] =	vst.idx.msk $0xffff, v20  }
0x55: {  	v18 =	vor.u32 v4, v18;
	v17 =	vor.u32 $0x4000, v11;
	v10 =	vor.u32 v28, v16;
	[tilespmem:v7+s19+$0x0] =	vst.idx.msk $0xffff, v15  }
0x56: {  	v11 =	vshll.u32 v12, $0x7;
	v7 =	vadd.s32 s0, v3;
	v16 =	vor.u32 $0x4000, v10;
	[tilespmem:v9+s19+$0x0] =	vst.idx.msk $0xffff, v23  }
0x57: {  	v10 =	vor.u32 v28, v11;
	v7 =	vand.u32 $0xF, v7;
	v9 =	vadd.s32 s1, v3  }
0x58: {  	v24 =	vor.u32 $0x4000, v10;
	v7 =	vor.u32 s31, v7;
	v9 =	vand.u32 $0xF, v9  }
.Ltmp1:
0x59: {  	v10 =	vshll.u32 v7, $0x7;
	v7 =	vor.u32 v18, v7;
	v9 =	vor.u32 s31, v9;
	(pc) =	sbr.rel @p0 .LBB2_4-.Ltmp1, $4  }
0x5a: {  	v11 =	vor.u32 v28, v21;
	v10 =	vor.u32 v28, v10;
	v19 =	vshll.u32 v9, $0x7  }
0x5b: {  	v22 =	vor.u32 $0x4000, v11;
	v15 =	vor.u32 $0x4000, v10;
	v10 =	vor.u32 v28, v19  }
0x5c: {  	v20 =	vor.u32 $0x4000, v14;
	v9 =	vor.u32 v18, v9;
	v23 =	vor.u32 $0x4000, v10;
	v19 =	vld.idx.msk [tilespmem:v25+s12+$0x0], $0xffff  }
0x5d: {  	s30 =	sadd.s32 $0x8, s30;
	v14 =	vor.u32 v18, v27;
	v11 =	vor.u32 v18, v29;
	v10 =	vor.u32 v18, v26;
	v21 =	vld.idx.msk [tilespmem:v24+s12+$0x0], $0xffff  }
0x5e: {  	_ =	sdelay $0x1  }
0x5f: {  	s28 =	simm.s32 $0x0  }
0x60: {  	v24 =	vor.u32 v18, v8;
	v12 =	vor.u32 v18, v12;
	v13 =	vor.u32 v18, v13;
	s0 =	sand.u32 $0x8, s28  }
0x61: {  	v22 =	vld.idx.msk [tilespmem:v22+s12+$0x0], $0xffff;
	s29 =	sand.u32 $0x30, s28;
	v8 =	vadd.s32 s0, v0;
	v18 =	vadd.s32 s0, v1;
	v25 =	vadd.s32 s0, v2  }
0x62: {  	v17 =	vld.idx.msk [tilespmem:v17+s12+$0x0], $0xffff;
	s1 =	sor.u32 $0x4, s0;
	v28 =	vor.u32 s29, v0;
	v8 =	vand.u32 $0xF, v8;
	v18 =	vand.u32 $0xF, v18  }
0x63: {  	v16 =	vld.idx.msk [tilespmem:v16+s12+$0x0], $0xffff;
	s13 =	sand.u32 $0x70, s28;
	v26 =	vadd.s32 s1, v0;
	v58 =	vadd.s32 s1, v1;
	v29 =	vadd.s32 s1, v2  }
0x64: {  	v23 =	vld.idx.msk [tilespmem:v23+s12+$0x0], $0xffff;
	v27 =	vor.u32 s13, v8;
	v8 =	vand.u32 $0xF, v25;
	v56 =	vand.u32 $0xF, v26  }
0x65: {  	v15 =	vld.idx.msk [tilespmem:v15+s12+$0x0], $0xffff;
	v59 =	vand.u32 $0xF, v29;
	v62 =	vor.u32 s13, v18;
	v57 =	vor.u32 s13, v8;
	[tilespmem:v24+s19+$0x0] =	vst.idx.msk $0xffff, v19  }
0x66: {  	v8 =	vor.u32 s13, v56;
	v19 =	vld.idx.msk [tilespmem:v20+s12+$0x0], $0xffff;
	v20 =	vmov s29;
	[tilespmem:v14+s19+$0x0] =	vst.idx.msk $0xffff, v22;
	v14 =	vshll.u32 v62, $0x7  }
0x67: {  	v30 =	vshll.u32 v8, $0x7;
	[tilespmem:v12+s19+$0x0] =	vst.idx.msk $0xffff, v21;
	v21 =	vshll.u32 v27, $0x7;
	v12 =	vand.u32 $0xF, v58  }
0x68: {  	v18 =	vshll.u32 v20, $0x7;
	[tilespmem:v11+s19+$0x0] =	vst.idx.msk $0xffff, v17;
	v11 =	vor.u32 v28, v14;
	v60 =	vor.u32 v28, v30  }
0x69: {  	[tilespmem:v13+s19+$0x0] =	vst.idx.msk $0xffff, v16;
	v12 =	vor.u32 s13, v12;
	v13 =	vor.u32 s13, v59;
	v16 =	vshll.u32 v57, $0x7  }
0x6a: {  	v17 =	vor.u32 $0x8000, v11;
	v18 =	vor.u32 v5, v18;
	v61 =	vor.u32 $0x8000, v60;
	[tilespmem:v9+s19+$0x0] =	vst.idx.msk $0xffff, v23  }
0x6b: {  	v14 =	vor.u32 v28, v16;
	v16 =	vshll.u32 v13, $0x7;
	v11 =	vshll.u32 v12, $0x7;
	[tilespmem:v10+s19+$0x0] =	vst.idx.msk $0xffff, v19  }
0x6c: {  	v9 =	vadd.s32 s1, v3;
	v10 =	vor.u32 v28, v16;
	[tilespmem:v7+s19+$0x0] =	vst.idx.msk $0xffff, v15;
	v7 =	vadd.s32 s0, v3  }
0x6d: {  	v16 =	vor.u32 $0x8000, v10;
	v10 =	vor.u32 v28, v11;
	v7 =	vand.u32 $0xF, v7  }
0x6e: {  	v9 =	vand.u32 $0xF, v9;
	[hbm4b:s6+s20] =	stream.strided.scatter [tilespmem:s22], [sflag:$0x2], $0x2000, s21, s20, $0x38;
	v63 =	vor.u32 $0x8000, v10;
	v7 =	vor.u32 s13, v7;
	[tilespmem:$0x18200] =	vst v63  }
0x6f: {  	v20 =	vor.u32 $0x8000, v14;
	v9 =	vor.u32 s13, v9;
	_ =	swait.ge [sflag:s18], $0x4000;
	v10 =	vshll.u32 v7, $0x7  }
0x70: {  	v11 =	vor.u32 v28, v21;
	v19 =	vshll.u32 v9, $0x7;
	[sflag:s18] =	ssyncset.done $0x0;
	v10 =	vor.u32 v28, v10  }
0x71: {  	v22 =	vor.u32 $0x8000, v11;
	[sflag:s18] =	ssyncadd.s32 $0xFFFFC000;
	v15 =	vor.u32 $0x8000, v10;
	v10 =	vor.u32 v28, v19  }
0x72: {  	v14 =	vor.u32 v18, v27;
	v9 =	vor.u32 v18, v9;
	v19 =	vld.idx.msk [tilespmem:v61+s12+$0x0], $0xffff;
	v23 =	vor.u32 $0x8000, v10  }
0x73: {  	s30 =	simm.s32 $0x8;
	s29 =	simm.s32 $0x0;
	v11 =	vor.u32 v18, v62;
	v7 =	vor.u32 v18, v7;
	v10 =	vor.u32 v18, v57;
	v21 =	vld.idx.msk [tilespmem:v63+s12+$0x0], $0xffff  }
.LBB2_6:
0x74: {  	s0 =	sand.u32 $0x8, s30;
	s29 =	sadd.s32 $0x2, s29;
	v17 =	vld.idx.msk [tilespmem:v17+s12+$0x0], $0xffff;
	v24 =	vor.u32 v18, v8;
	v12 =	vor.u32 v18, v12;
	v13 =	vor.u32 v18, v13  }
0x75: {  	v8 =	vadd.s32 s0, v0;
	v18 =	vadd.s32 s0, v1;
	v25 =	vadd.s32 s0, v2;
	s1 =	sor.u32 $0x4, s0;
	p0 =	slt.u32 s29, $0x7E;
	v16 =	vld.idx.msk [tilespmem:v16+s12+$0x0], $0xffff  }
0x76: {  	s31 =	sand.u32 $0x70, s30;
	v8 =	vand.u32 $0xF, v8;
	v18 =	vand.u32 $0xF, v18;
	v26 =	vadd.s32 s1, v0;
	v22 =	vld.idx.msk [tilespmem:v22+s12+$0x0], $0xffff  }
0x77: {  	s28 =	sadd.s32 $0x1, s28;
	v27 =	vor.u32 s31, v8;
	v8 =	vand.u32 $0xF, v25;
	v25 =	vand.u32 $0xF, v26;
	v23 =	vld.idx.msk [tilespmem:v23+s12+$0x0], $0xffff  }
0x78: {  	s13 =	sand.u32 $0x30, s28;
	v26 =	vor.u32 s31, v8;
	v8 =	vor.u32 s31, v25;
	v25 =	vadd.s32 s1, v1;
	v20 =	vld.idx.msk [tilespmem:v20+s12+$0x0], $0xffff  }
0x79: {  	v28 =	vor.u32 s13, v0;
	v29 =	vadd.s32 s1, v2;
	v30 =	vshll.u32 v8, $0x7;
	v15 =	vld.idx.msk [tilespmem:v15+s12+$0x0], $0xffff;
	[tilespmem:v24+s19+$0x0] =	vst.idx.msk $0xffff, v19  }
0x7a: {  	v19 =	vmov s13;
	v24 =	vand.u32 $0xF, v29;
	v29 =	vor.u32 v28, v30;
	[tilespmem:v12+s19+$0x0] =	vst.idx.msk $0xffff, v21  }
0x7b: {  	v21 =	vshll.u32 v27, $0x7;
	v12 =	vand.u32 $0xF, v25;
	v25 =	vor.u32 $0x8000, v29;
	[tilespmem:v13+s19+$0x0] =	vst.idx.msk $0xffff, v16  }
0x7c: {  	v29 =	vor.u32 s31, v18;
	v12 =	vor.u32 s31, v12;
	v13 =	vor.u32 s31, v24;
	[tilespmem:v14+s19+$0x0] =	vst.idx.msk $0xffff, v22  }
0x7d: {  	v16 =	vshll.u32 v26, $0x7;
	v18 =	vshll.u32 v19, $0x7;
	v14 =	vshll.u32 v29, $0x7;
	[tilespmem:v11+s19+$0x0] =	vst.idx.msk $0xffff, v17  }
0x7e: {  	v11 =	vor.u32 v28, v14;
	v14 =	vor.u32 v28, v16;
	v16 =	vshll.u32 v13, $0x7;
	[tilespmem:v10+s19+$0x0] =	vst.idx.msk $0xffff, v20  }
0x7f: {  	v18 =	vor.u32 v5, v18;
	v17 =	vor.u32 $0x8000, v11;
	v10 =	vor.u32 v28, v16;
	[tilespmem:v7+s19+$0x0] =	vst.idx.msk $0xffff, v15  }
0x80: {  	v11 =	vshll.u32 v12, $0x7;
	v7 =	vadd.s32 s0, v3;
	v16 =	vor.u32 $0x8000, v10;
	[tilespmem:v9+s19+$0x0] =	vst.idx.msk $0xffff, v23  }
0x81: {  	v10 =	vor.u32 v28, v11;
	v7 =	vand.u32 $0xF, v7;
	v9 =	vadd.s32 s1, v3  }
0x82: {  	v24 =	vor.u32 $0x8000, v10;
	v7 =	vor.u32 s31, v7;
	v9 =	vand.u32 $0xF, v9  }
.Ltmp2:
0x83: {  	v10 =	vshll.u32 v7, $0x7;
	v7 =	vor.u32 v18, v7;
	v9 =	vor.u32 s31, v9;
	(pc) =	sbr.rel @p0 .LBB2_6-.Ltmp2, $4  }
0x84: {  	v11 =	vor.u32 v28, v21;
	v10 =	vor.u32 v28, v10;
	v19 =	vshll.u32 v9, $0x7  }
0x85: {  	v22 =	vor.u32 $0x8000, v11;
	v15 =	vor.u32 $0x8000, v10;
	v10 =	vor.u32 v28, v19  }
0x86: {  	v20 =	vor.u32 $0x8000, v14;
	v9 =	vor.u32 v18, v9;
	v23 =	vor.u32 $0x8000, v10;
	v19 =	vld.idx.msk [tilespmem:v25+s12+$0x0], $0xffff  }
0x87: {  	s30 =	sadd.s32 $0x8, s30;
	v14 =	vor.u32 v18, v27;
	v11 =	vor.u32 v18, v29;
	v10 =	vor.u32 v18, v26;
	v21 =	vld.idx.msk [tilespmem:v24+s12+$0x0], $0xffff  }
0x88: {  	_ = 	snop  }
0x89: {  	s28 =	simm.s32 $0x0  }
0x8a: {  	v24 =	vor.u32 v18, v8;
	v12 =	vor.u32 v18, v12;
	v13 =	vor.u32 v18, v13;
	s0 =	sand.u32 $0x8, s28  }
0x8b: {  	s29 =	sand.u32 $0x30, s28;
	v8 =	vadd.s32 s0, v0;
	v18 =	vadd.s32 s0, v1;
	v25 =	vadd.s32 s0, v2  }
0x8c: {  	v22 =	vld.idx.msk [tilespmem:v22+s12+$0x0], $0xffff;
	s1 =	sor.u32 $0x4, s0;
	v28 =	vor.u32 s29, v0;
	v8 =	vand.u32 $0xF, v8;
	v18 =	vand.u32 $0xF, v18  }
0x8d: {  	v16 =	vld.idx.msk [tilespmem:v16+s12+$0x0], $0xffff;
	s13 =	sand.u32 $0x70, s28;
	v26 =	vadd.s32 s1, v0;
	v59 =	vadd.s32 s1, v1;
	v29 =	vadd.s32 s1, v2  }
0x8e: {  	v17 =	vld.idx.msk [tilespmem:v17+s12+$0x0], $0xffff;
	v27 =	vor.u32 s13, v8;
	v8 =	vand.u32 $0xF, v25;
	v57 =	vand.u32 $0xF, v26  }
0x8f: {  	v23 =	vld.idx.msk [tilespmem:v23+s12+$0x0], $0xffff;
	v60 =	vand.u32 $0xF, v29;
	v58 =	vor.u32 s13, v8;
	v8 =	vor.u32 s13, v57;
	[tilespmem:v24+s19+$0x0] =	vst.idx.msk $0xffff, v19  }
0x90: {  	v19 =	vld.idx.msk [tilespmem:v20+s12+$0x0], $0xffff;
	v20 =	vmov s29;
	v30 =	vshll.u32 v8, $0x7;
	[tilespmem:v12+s19+$0x0] =	vst.idx.msk $0xffff, v21;
	v21 =	vshll.u32 v27, $0x7  }
0x91: {  	v15 =	vld.idx.msk [tilespmem:v15+s12+$0x0], $0xffff;
	[tilespmem:v14+s19+$0x0] =	vst.idx.msk $0xffff, v22;
	v12 =	vand.u32 $0xF, v59;
	v20 =	vshll.u32 v20, $0x7;
	v61 =	vor.u32 v28, v30  }
0x92: {  	[tilespmem:v13+s19+$0x0] =	vst.idx.msk $0xffff, v16;
	v16 =	vor.u32 s13, v18;
	v12 =	vor.u32 s13, v12;
	v13 =	vor.u32 s13, v60  }
0x93: {  	[tilespmem:v11+s19+$0x0] =	vst.idx.msk $0xffff, v17;
	v18 =	vshll.u32 v58, $0x7;
	v62 =	vor.u32 $0xC000, v61;
	v14 =	vshll.u32 v16, $0x7  }
0x94: {  	v17 =	vor.u32 v28, v18;
	[tilespmem:v9+s19+$0x0] =	vst.idx.msk $0xffff, v23;
	v9 =	vadd.s32 s1, v3;
	v11 =	vor.u32 v28, v14  }
0x95: {  	v18 =	vshll.u32 v13, $0x7;
	v9 =	vand.u32 $0xF, v9;
	[tilespmem:v10+s19+$0x0] =	vst.idx.msk $0xffff, v19;
	v14 =	vor.u32 $0xC000, v11  }
0x96: {  	v11 =	vor.u32 v28, v18;
	v18 =	vshll.u32 v12, $0x7;
	[tilespmem:v7+s19+$0x0] =	vst.idx.msk $0xffff, v15;
	v7 =	vadd.s32 s0, v3  }
0x97: {  	v15 =	vor.u32 $0xC000, v11;
	v11 =	vor.u32 v28, v18;
	v7 =	vand.u32 $0xF, v7  }
0x98: {  	v10 =	vor.u32 v6, v20;
	[hbm4b:s7+s20] =	stream.strided.scatter [tilespmem:s23], [sflag:$0x2], $0x2000, s21, s20, $0x38;
	v63 =	vor.u32 $0xC000, v11;
	v7 =	vor.u32 s13, v7;
	[tilespmem:$0x18200] =	vst v63  }
0x99: {  	v9 =	vor.u32 s13, v9;
	v20 =	vor.u32 $0xC000, v17;
	_ =	swait.ge [sflag:s18], $0x4000;
	v11 =	vshll.u32 v7, $0x7  }
0x9a: {  	v18 =	vor.u32 v28, v21;
	v19 =	vshll.u32 v9, $0x7;
	[sflag:s18] =	ssyncset.done $0x0;
	v11 =	vor.u32 v28, v11  }
0x9b: {  	v22 =	vor.u32 $0xC000, v18;
	[sflag:s18] =	ssyncadd.s32 $0xFFFFC000;
	v18 =	vor.u32 $0xC000, v11;
	v11 =	vor.u32 v28, v19  }
0x9c: {  	v9 =	vor.u32 v10, v9;
	v17 =	vor.u32 v10, v27;
	v19 =	vld.idx.msk [tilespmem:v62+s12+$0x0], $0xffff;
	v23 =	vor.u32 $0xC000, v11  }
0x9d: {  	s30 =	simm.s32 $0x8;
	s29 =	simm.s32 $0x0;
	v16 =	vor.u32 v10, v16;
	v7 =	vor.u32 v10, v7;
	v11 =	vor.u32 v10, v58;
	v21 =	vld.idx.msk [tilespmem:v63+s12+$0x0], $0xffff  }
.LBB2_8:
0x9e: {  	s0 =	sand.u32 $0x8, s30;
	s29 =	sadd.s32 $0x2, s29;
	v14 =	vld.idx.msk [tilespmem:v14+s12+$0x0], $0xffff;
	v24 =	vor.u32 v10, v8;
	v12 =	vor.u32 v10, v12;
	v10 =	vor.u32 v10, v13  }
0x9f: {  	v8 =	vadd.s32 s0, v0;
	v13 =	vadd.s32 s0, v1;
	v25 =	vadd.s32 s0, v2;
	s1 =	sor.u32 $0x4, s0;
	p0 =	slt.u32 s29, $0x7E;
	v15 =	vld.idx.msk [tilespmem:v15+s12+$0x0], $0xffff  }
0xa0: {  	s31 =	sand.u32 $0x70, s30;
	v8 =	vand.u32 $0xF, v8;
	v13 =	vand.u32 $0xF, v13;
	v26 =	vadd.s32 s1, v0;
	v22 =	vld.idx.msk [tilespmem:v22+s12+$0x0], $0xffff  }
0xa1: {  	s28 =	sadd.s32 $0x1, s28;
	v27 =	vor.u32 s31, v8;
	v8 =	vand.u32 $0xF, v25;
	v25 =	vand.u32 $0xF, v26;
	v23 =	vld.idx.msk [tilespmem:v23+s12+$0x0], $0xffff  }
0xa2: {  	s13 =	sand.u32 $0x30, s28;
	v26 =	vor.u32 s31, v8;
	v8 =	vor.u32 s31, v25;
	v25 =	vadd.s32 s1, v1;
	v20 =	vld.idx.msk [tilespmem:v20+s12+$0x0], $0xffff  }
0xa3: {  	v28 =	vor.u32 s13, v0;
	v29 =	vadd.s32 s1, v2;
	v30 =	vshll.u32 v8, $0x7;
	v18 =	vld.idx.msk [tilespmem:v18+s12+$0x0], $0xffff;
	[tilespmem:v24+s19+$0x0] =	vst.idx.msk $0xffff, v19  }
0xa4: {  	v19 =	vmov s13;
	v24 =	vand.u32 $0xF, v29;
	v29 =	vor.u32 v28, v30;
	[tilespmem:v12+s19+$0x0] =	vst.idx.msk $0xffff, v21  }
0xa5: {  	v21 =	vshll.u32 v27, $0x7;
	v12 =	vand.u32 $0xF, v25;
	v25 =	vor.u32 $0xC000, v29;
	[tilespmem:v10+s19+$0x0] =	vst.idx.msk $0xffff, v15  }
0xa6: {  	v29 =	vor.u32 s31, v13;
	v12 =	vor.u32 s31, v12;
	v13 =	vor.u32 s31, v24;
	[tilespmem:v17+s19+$0x0] =	vst.idx.msk $0xffff, v22  }
0xa7: {  	v15 =	vshll.u32 v26, $0x7;
	v10 =	vshll.u32 v29, $0x7;
	v17 =	vshll.u32 v19, $0x7;
	[tilespmem:v16+s19+$0x0] =	vst.idx.msk $0xffff, v14  }
0xa8: {  	v10 =	vor.u32 v28, v10;
	v16 =	vor.u32 v28, v15;
	v15 =	vshll.u32 v13, $0x7;
	[tilespmem:v11+s19+$0x0] =	vst.idx.msk $0xffff, v20  }
0xa9: {  	v14 =	vor.u32 $0xC000, v10;
	v10 =	vor.u32 v6, v17;
	v11 =	vor.u32 v28, v15;
	[tilespmem:v7+s19+$0x0] =	vst.idx.msk $0xffff, v18  }
0xaa: {  	v17 =	vshll.u32 v12, $0x7;
	v7 =	vadd.s32 s0, v3;
	v15 =	vor.u32 $0xC000, v11;
	[tilespmem:v9+s19+$0x0] =	vst.idx.msk $0xffff, v23  }
0xab: {  	v11 =	vor.u32 v28, v17;
	v7 =	vand.u32 $0xF, v7;
	v9 =	vadd.s32 s1, v3  }
0xac: {  	v24 =	vor.u32 $0xC000, v11;
	v7 =	vor.u32 s31, v7;
	v9 =	vand.u32 $0xF, v9  }
.Ltmp3:
0xad: {  	v11 =	vshll.u32 v7, $0x7;
	v7 =	vor.u32 v10, v7;
	v9 =	vor.u32 s31, v9;
	(pc) =	sbr.rel @p0 .LBB2_8-.Ltmp3, $4  }
0xae: {  	v17 =	vor.u32 v28, v21;
	v11 =	vor.u32 v28, v11;
	v19 =	vshll.u32 v9, $0x7  }
0xaf: {  	v22 =	vor.u32 $0xC000, v17;
	v18 =	vor.u32 $0xC000, v11;
	v11 =	vor.u32 v28, v19  }
0xb0: {  	v20 =	vor.u32 $0xC000, v16;
	v9 =	vor.u32 v10, v9;
	v23 =	vor.u32 $0xC000, v11;
	v19 =	vld.idx.msk [tilespmem:v25+s12+$0x0], $0xffff  }
0xb1: {  	s30 =	sadd.s32 $0x8, s30;
	v16 =	vor.u32 v10, v29;
	v17 =	vor.u32 v10, v27;
	v11 =	vor.u32 v10, v26;
	v21 =	vld.idx.msk [tilespmem:v24+s12+$0x0], $0xffff  }
0xb2: {  	_ =	sdelay $0x2  }
0xb3: {  	v8 =	vor.u32 v10, v8  }
0xb4: {  	v62 =	vld.idx.msk [tilespmem:v22+s12+$0x0], $0xffff  }
0xb5: {  	v14 =	vld.idx.msk [tilespmem:v14+s12+$0x0], $0xffff;
	v12 =	vor.u32 v10, v12  }
0xb6: {  	v61 =	vld.idx.msk [tilespmem:v15+s12+$0x0], $0xffff  }
0xb7: {  	v60 =	vor.u32 v10, v13;
	v63 =	vld.idx.msk [tilespmem:v23+s12+$0x0], $0xffff  }
0xb8: {  	v20 =	vld.idx.msk [tilespmem:v20+s12+$0x0], $0xffff;
	[tilespmem:v8+s19+$0x0] =	vst.idx.msk $0xffff, v19  }
0xb9: {  	v8 =	vld.idx.msk [tilespmem:v18+s12+$0x0], $0xffff;
	[tilespmem:v17+s19+$0x0] =	vst.idx.msk $0xffff, v62  }
0xba: {  	[tilespmem:v12+s19+$0x0] =	vst.idx.msk $0xffff, v21  }
0xbb: {  	[tilespmem:v16+s19+$0x0] =	vst.idx.msk $0xffff, v14  }
0xbc: {  	[tilespmem:v60+s19+$0x0] =	vst.idx.msk $0xffff, v61  }
0xbd: {  	[tilespmem:v11+s19+$0x0] =	vst.idx.msk $0xffff, v20  }
0xbe: {  	[tilespmem:v9+s19+$0x0] =	vst.idx.msk $0xffff, v63  }
0xbf: {  	[tilespmem:v7+s19+$0x0] =	vst.idx.msk $0xffff, v8  }
0xc0: {  	[hbm4b:s8+s20] =	stream.strided.scatter [tilespmem:s24], [sflag:$0x2], $0x2000, s21, s20, $0x38;
	[tilespmem:$0x18200] =	vst v63  }
0xc1: {  	_ =	swait.ge [sflag:s25], $0x2000  }
0xc2: {  	[sflag:s25] =	ssyncset.done $0x0  }
0xc3: {  	[sflag:s25] =	ssyncadd.s32 $0xFFFFE000  }
0xc4: {  	_ =	swait.ge [sflag:s25], $0x2000  }
0xc5: {  	[sflag:s25] =	ssyncset.done $0x0  }
0xc6: {  	s26 =	sadd.s32 $0x1, s26;
	[sflag:s25] =	ssyncadd.s32 $0xFFFFE000  }
0xc7: {  	p0 =	sne.s32 s26, s9;
	_ =	swait.ge [sflag:s25], $0x2000  }
.Ltmp4:
0xc8: {  	[sflag:s25] =	ssyncset.done $0x0;
	(pc) =	sbr.rel @p0 .LBB2_1-.Ltmp4, $4  }
0xc9: {  	[sflag:s25] =	ssyncadd.s32 $0xFFFFE000  }
0xca: {  	_ =	swait.ge [sflag:s25], $0x2000  }
0xcb: {  	[sflag:s25] =	ssyncset.done $0x0  }
0xcc: {  	[sflag:s25] =	ssyncadd.s32 $0xFFFFE000  }
0xcd: {  	_ =	sfence.sel $0x180000  }
0xce: {  	[bflag:$0x0] =	sbarrier.arrive $0xFFFF  }
0xcf: {  	_ =	strace $0x90000047  }
0xd0: {  	s0 =	stileid.u32;
	[bflag:$0x2] =	sbarrier.arrive $0xFFFF  }
0xd1: {  	p0 =	sne.s32 s0, $0x0;
	s0 =	rddreg [dreg:$0x3]  }
0xd2: {  	s0 =	sadd.s32 @!p0 $0x100000, s0  }
0xd3: {  	[sflag:s0] =	ssyncadd.tile.s32 @!p0 $0x1;
	_ =	shalt  }
.Lfunc_end2:
_tile_overlayer_lowered:
.L_overlay_start_2:
0xd4: {  	(tag) =	ssettag $0x2  }
0xd5: {  	s0 =	rddreg [dreg:$0x0];
	s2 =	stileid.u32  }
0xd6: {  	s1 =	rddreg [dreg:$0x1];
	p0 =	sne.s32 s2, $0x0  }
0xd7: {  	s3 =	rddreg [dreg:$0x2];
	[bflag:$0x3] =	sbarrier.arrive $0xFFFF;
	s2 =	simm.s32 @!p0 $0x1C03  }
0xd8: {  	[timem:s3], [sflag:s2] =	dma.local @!p0 [hbm:s0], s1  }
0xd9: {  	s0 =	simm.s32 @!p0 $0x3  }
0xda: {  	_ =	swait.ge @!p0 [sflag:s0], s1  }
0xdb: {  	s1 =	ssub.s32 @!p0 $0x0, s1;
	[sflag:s0] =	ssyncset.done @!p0 $0x0  }
0xdc: {  	[sflag:s0] =	ssyncadd.s32 @!p0 s1  }
0xdd: {  	[bflag:$0x3] =	sbarrier.arrive $0xFFFF  }
0xde: {  	_ =	shalt  }

</sc_bundles>
